<compile_context>
chip_gen: v7x
topology: tpu7x:2x2x1
jax: 0.10.2.dev20260603
libtpu: 0.0.44.dev20260713+nightly
codegen_flags: <defaults>
</compile_context>

<pallas_src>
import functools

import jax
import jax.numpy as jnp
from jax import lax
from jax.experimental import pallas as pl
from jax.experimental.pallas import tpu as pltpu
from jax.experimental.pallas import tpu_sc as plsc

NL_DIM = 128
TP_DIM = 64
POS_DIM = 64
OUT_DIM = NL_DIM + TP_DIM + POS_DIM
NC, NS = 2, 16
NW = NC * NS
NSLOT = 4
HALF = 2


def _make_kernel(B, L):
    bpw = B // NW
    mesh = plsc.VectorSubcoreMesh(core_axis_name="c", subcore_axis_name="s",
                                  num_cores=NC, num_subcores=NS)

    @functools.partial(
        pl.kernel,
        out_type=jax.ShapeDtypeStruct((L, B, OUT_DIM), jnp.float32),
        mesh=mesh,
        scratch_types=[
            pltpu.VMEM((L, bpw), jnp.int32),
            pltpu.VMEM((L, bpw), jnp.int32),
            [pltpu.VMEM((bpw // HALF, NL_DIM), jnp.float32)
             for _ in range(NSLOT)],
            [pltpu.VMEM((bpw // HALF, NL_DIM), jnp.float32)
             for _ in range(NSLOT)],
            pltpu.VMEM_SHARED((6000, TP_DIM + POS_DIM), jnp.float32),
            [pltpu.SemaphoreType.DMA for _ in range(NSLOT)],
            [pltpu.SemaphoreType.DMA for _ in range(NSLOT)],
            [pltpu.SemaphoreType.DMA for _ in range(NSLOT)],
            [pltpu.SemaphoreType.DMA for _ in range(NSLOT)],
        ],
    )
    def k(nl_hbm, cx_hbm, wombat_hbm, wnl_hbm, wcross_hbm,
          out_hbm, nl_idx, cx_idx, accs, tpps, wcross_sp,
          sem_a, sem_g, sem_c, sem_w):
        wid = lax.axis_index("s") * NC + lax.axis_index("c")
        wb = wid * bpw
        pltpu.sync_copy(nl_hbm.at[:, pl.ds(wb, bpw)], nl_idx)
        pltpu.sync_copy(cx_hbm.at[:, pl.ds(wb, bpw)], cx_idx)

        st = lax.axis_index("s") * 368
        pltpu.sync_copy(wcross_hbm.at[pl.ds(st, 480)],
                        wcross_sp.at[pl.ds(st, 480)])
        plsc.subcore_barrier()

        hb = bpw // HALF

        def fire_loads(s, q):
            l, h = q // HALF, q % HALF
            b0 = wb + h * hb
            pltpu.async_copy(wombat_hbm.at[l, pl.ds(b0, hb), :], accs[s],
                             sem_a[s])
            pltpu.async_copy(wcross_sp.at[cx_idx.at[l, pl.ds(h * hb, hb)]],
                             tpps[s], sem_c[s])

        def wait_wombat_fire_adds(s, q):
            l, h = q // HALF, q % HALF
            b0 = wb + h * hb
            pltpu.make_async_copy(wombat_hbm.at[l, pl.ds(b0, hb), :],
                                  accs[s], sem_a[s]).wait()
            pltpu.async_copy(wnl_hbm.at[nl_idx.at[l, pl.ds(h * hb, hb)]],
                             accs[s], sem_g[s], add=True)

        def wait_fire_writes(s, q):
            l, h = q // HALF, q % HALF
            b0 = wb + h * hb
            pltpu.make_async_copy(wcross_sp.at[cx_idx.at[l, pl.ds(h * hb, hb)]],
                                  tpps[s], sem_c[s]).wait()
            pltpu.async_copy(
                tpps[s], out_hbm.at[l, pl.ds(b0, hb), pl.ds(NL_DIM, NL_DIM)],
                sem_w[s])
            pltpu.make_async_copy(wnl_hbm.at[nl_idx.at[l, pl.ds(h * hb, hb)]],
                                  accs[s], sem_g[s]).wait()
            pltpu.async_copy(
                accs[s], out_hbm.at[l, pl.ds(b0, hb), pl.ds(0, NL_DIM)],
                sem_w[s])

        def wait_writes(s, q):
            l, h = q // HALF, q % HALF
            b0 = wb + h * hb
            pltpu.make_async_copy(
                accs[s], out_hbm.at[l, pl.ds(b0, hb), pl.ds(0, NL_DIM)],
                sem_w[s]).wait()
            pltpu.make_async_copy(
                tpps[s], out_hbm.at[l, pl.ds(b0, hb), pl.ds(NL_DIM, NL_DIM)],
                sem_w[s]).wait()

        nq = L * HALF
        steps = nq // NSLOT

        def body(i, carry):
            for s in range(NSLOT):
                q = NSLOT * i + s

                @pl.when(i > 0)
                def _():
                    wait_writes(s, q)
                fire_loads(s, q)
            for s in range(NSLOT):
                wait_wombat_fire_adds(s, NSLOT * i + s)
            for s in range(NSLOT):
                wait_fire_writes(s, NSLOT * i + s)
            return carry

        lax.fori_loop(0, steps, body, 0)
        for s in range(NSLOT):
            wait_writes(s, NSLOT * (steps - 1) + s)

    return k


def kernel(nl_tensor, tp_tensor, pos_tensor, wombat_tensor, W_nl, W_tp, W_pos):
    B, L = nl_tensor.shape
    pos_vocab = W_pos.shape[0]
    w_cross = jnp.concatenate(
        [jnp.broadcast_to(W_tp[:, None, :], (W_tp.shape[0], pos_vocab, TP_DIM)),
         jnp.broadcast_to(W_pos[None, :, :], (W_tp.shape[0], pos_vocab, POS_DIM))],
        axis=-1).reshape(W_tp.shape[0] * pos_vocab, TP_DIM + POS_DIM)
    cx_tensor = tp_tensor * pos_vocab + pos_tensor
    k = _make_kernel(B, L)
    out_t = k(nl_tensor.T, cx_tensor.T, wombat_tensor.transpose(1, 0, 2),
              W_nl, w_cross)
    return out_t.transpose(1, 0, 2)

# --- scband reference (transcript-rebuilt; emitter-appended) ---
"""Pipeline reference for scband-source-emb-37125697307277 (READ-ONLY COPY).

The authoritative reference and input builder live on the scoring server;
editing this copy changes nothing except your own understanding.
"""

import jax, jax.numpy as jnp
import numpy as np

NL_VOCAB, NL_DIM = 100000, 128
TP_VOCAB, TP_DIM = 100, 64
POS_VOCAB, POS_DIM = 60, 64
B, L = 4096, 50

def setup_inputs(seed: int = 0) -> dict:
    key = jax.random.key(seed)
    k1, k2, k3, k4, k5, k6, k7 = jax.random.split(key, 7)
    nl_tensor = jax.random.randint(k1, (B, L), 0, NL_VOCAB, dtype=jnp.int64 if jax.config.jax_enable_x64 else jnp.int32).astype(jnp.int32)
    tp_tensor = jax.random.randint(k2, (B, L), 0, TP_VOCAB).astype(jnp.int32)
    pos_tensor = jax.random.randint(k3, (B, L), 0, POS_VOCAB).astype(jnp.int32)
    wombat_tensor = jax.random.normal(k4, (B, L, NL_DIM), dtype=jnp.float32)
    W_nl = jax.random.normal(k5, (NL_VOCAB, NL_DIM), dtype=jnp.float32) * 0.02
    W_tp = jax.random.normal(k6, (TP_VOCAB, TP_DIM), dtype=jnp.float32) * 0.02
    W_pos = jax.random.normal(k7, (POS_VOCAB, POS_DIM), dtype=jnp.float32) * 0.02
    return {"nl_tensor": nl_tensor, "tp_tensor": tp_tensor, "pos_tensor": pos_tensor,
            "wombat_tensor": wombat_tensor, "W_nl": W_nl, "W_tp": W_tp, "W_pos": W_pos}

def reference(nl_tensor, tp_tensor, pos_tensor, wombat_tensor, W_nl, W_tp, W_pos):
    # swd_inp='triple', swd_mode='conc'
    nlemb = jnp.take(W_nl, nl_tensor, axis=0)
    nlemb = nlemb + wombat_tensor
    tpemb = jnp.take(W_tp, tp_tensor, axis=0)
    posemb = jnp.take(W_pos, pos_tensor, axis=0)
    en_inp = jnp.concatenate([nlemb, tpemb, posemb], axis=-1)
    return en_inp

if __name__ == "__main__":
    import jax
    _d = setup_inputs()
    print(jax.jit(kernel)(*tuple(_d.values())))

</pallas_src>

<mosaic_0001>
#map = affine_map<(d0, d1) -> (0, 0)>
#map1 = affine_map<(d0, d1) -> (0, 0, 0)>
module attributes {stable_mosaic.version = 14 : i64} {
  func.func @k(%arg0: i32, %arg1: i32, %arg2: memref<50x4096xi32, #tpu.memory_space<hbm>>, %arg3: memref<50x4096xi32, #tpu.memory_space<hbm>>, %arg4: memref<50x4096x128xf32, #tpu.memory_space<hbm>>, %arg5: memref<100000x128xf32, #tpu.memory_space<hbm>>, %arg6: memref<6000x128xf32, #tpu.memory_space<hbm>>, %arg7: memref<50x4096x256xf32, #tpu.memory_space<hbm>>, %arg8: memref<50x128xi32, #tpu.memory_space<vmem>>, %arg9: memref<50x128xi32, #tpu.memory_space<vmem>>, %arg10: memref<64x128xf32, #tpu.memory_space<vmem>>, %arg11: memref<64x128xf32, #tpu.memory_space<vmem>>, %arg12: memref<64x128xf32, #tpu.memory_space<vmem>>, %arg13: memref<64x128xf32, #tpu.memory_space<vmem>>, %arg14: memref<64x128xf32, #tpu.memory_space<vmem>>, %arg15: memref<64x128xf32, #tpu.memory_space<vmem>>, %arg16: memref<64x128xf32, #tpu.memory_space<vmem>>, %arg17: memref<64x128xf32, #tpu.memory_space<vmem>>, %arg18: memref<6000x128xf32, #tpu.memory_space<vmem_shared>>, %arg19: memref<!tpu.dma_semaphore, #tpu.memory_space<semaphore_mem>>, %arg20: memref<!tpu.dma_semaphore, #tpu.memory_space<semaphore_mem>>, %arg21: memref<!tpu.dma_semaphore, #tpu.memory_space<semaphore_mem>>, %arg22: memref<!tpu.dma_semaphore, #tpu.memory_space<semaphore_mem>>, %arg23: memref<!tpu.dma_semaphore, #tpu.memory_space<semaphore_mem>>, %arg24: memref<!tpu.dma_semaphore, #tpu.memory_space<semaphore_mem>>, %arg25: memref<!tpu.dma_semaphore, #tpu.memory_space<semaphore_mem>>, %arg26: memref<!tpu.dma_semaphore, #tpu.memory_space<semaphore_mem>>, %arg27: memref<!tpu.dma_semaphore, #tpu.memory_space<semaphore_mem>>, %arg28: memref<!tpu.dma_semaphore, #tpu.memory_space<semaphore_mem>>, %arg29: memref<!tpu.dma_semaphore, #tpu.memory_space<semaphore_mem>>, %arg30: memref<!tpu.dma_semaphore, #tpu.memory_space<semaphore_mem>>, %arg31: memref<!tpu.dma_semaphore, #tpu.memory_space<semaphore_mem>>, %arg32: memref<!tpu.dma_semaphore, #tpu.memory_space<semaphore_mem>>, %arg33: memref<!tpu.dma_semaphore, #tpu.memory_space<semaphore_mem>>, %arg34: memref<!tpu.dma_semaphore, #tpu.memory_space<semaphore_mem>>) attributes {dimension_semantics = [#tpu.dimension_semantics<core_parallel>, #tpu.dimension_semantics<subcore_parallel>], iteration_bounds = array<i64: 2, 16>, scalar_prefetch = 0 : i64, scratch_operands = 27 : i64, tpu.core_type = #tpu.core_type<sc_vector_subcore>, window_params = [{transform_indices = #map}, {transform_indices = #map}, {transform_indices = #map1}, {transform_indices = #map}, {transform_indices = #map}, {transform_indices = #map1}]} {
    %mul3A = arith.constant 2 : i32
    %mul3A_0 = arith.muli %arg1, %mul3A : i32
    %add3A = arith.addi %mul3A_0, %arg0 : i32
    %mul3A_1 = arith.constant 128 : i32
    %mul3A_2 = arith.muli %add3A, %mul3A_1 : i32
    "tpu.region"() ({
      %run_scoped3A = tpu.sem_alloc : memref<!tpu.dma_semaphore, #tpu.memory_space<semaphore_mem>>
      %dma_start3A = arith.constant 0 : i32
      %dma_start3A_73 = tpu.memref_slice %arg2[%dma_start3A, %mul3A_2] : memref<50x4096xi32, #tpu.memory_space<hbm>> -> memref<50x128xi32, #tpu.memory_space<hbm>>
      %dma_start3A_74 = arith.constant 0 : i32
      %dma_start3A_75 = tpu.memref_slice %arg2[%dma_start3A_74, %mul3A_2] : memref<50x4096xi32, #tpu.memory_space<hbm>> -> memref<50x128xi32, #tpu.memory_space<hbm>>
      tpu.enqueue_dma source(%dma_start3A_75 : memref<50x128xi32, #tpu.memory_space<hbm>>) target(%arg8 : memref<50x128xi32, #tpu.memory_space<vmem>>) target_semaphore(%run_scoped3A : memref<!tpu.dma_semaphore, #tpu.memory_space<semaphore_mem>>)
      %dma_wait3A_76 = arith.constant 0 : i32
      %dma_wait3A_77 = tpu.memref_slice %arg2[%dma_wait3A_76, %mul3A_2] : memref<50x4096xi32, #tpu.memory_space<hbm>> -> memref<50x128xi32, #tpu.memory_space<hbm>>
      %dma_wait3A_78 = arith.constant 0 : i32
      %dma_wait3A_79 = tpu.memref_slice %arg2[%dma_wait3A_78, %mul3A_2] : memref<50x4096xi32, #tpu.memory_space<hbm>> -> memref<50x128xi32, #tpu.memory_space<hbm>>
      tpu.wait_dma2 semaphore(%run_scoped3A : memref<!tpu.dma_semaphore, #tpu.memory_space<semaphore_mem>>) src(%dma_wait3A_79 : memref<50x128xi32, #tpu.memory_space<hbm>>) dst(%arg8 : memref<50x128xi32, #tpu.memory_space<vmem>>)
      tpu.yield
    }) : () -> ()
    "tpu.region"() ({
      %run_scoped3A = tpu.sem_alloc : memref<!tpu.dma_semaphore, #tpu.memory_space<semaphore_mem>>
      %dma_start3A = arith.constant 0 : i32
      %dma_start3A_73 = tpu.memref_slice %arg3[%dma_start3A, %mul3A_2] : memref<50x4096xi32, #tpu.memory_space<hbm>> -> memref<50x128xi32, #tpu.memory_space<hbm>>
      %dma_start3A_74 = arith.constant 0 : i32
      %dma_start3A_75 = tpu.memref_slice %arg3[%dma_start3A_74, %mul3A_2] : memref<50x4096xi32, #tpu.memory_space<hbm>> -> memref<50x128xi32, #tpu.memory_space<hbm>>
      tpu.enqueue_dma source(%dma_start3A_75 : memref<50x128xi32, #tpu.memory_space<hbm>>) target(%arg9 : memref<50x128xi32, #tpu.memory_space<vmem>>) target_semaphore(%run_scoped3A : memref<!tpu.dma_semaphore, #tpu.memory_space<semaphore_mem>>)
      %dma_wait3A_76 = arith.constant 0 : i32
      %dma_wait3A_77 = tpu.memref_slice %arg3[%dma_wait3A_76, %mul3A_2] : memref<50x4096xi32, #tpu.memory_space<hbm>> -> memref<50x128xi32, #tpu.memory_space<hbm>>
      %dma_wait3A_78 = arith.constant 0 : i32
      %dma_wait3A_79 = tpu.memref_slice %arg3[%dma_wait3A_78, %mul3A_2] : memref<50x4096xi32, #tpu.memory_space<hbm>> -> memref<50x128xi32, #tpu.memory_space<hbm>>
      tpu.wait_dma2 semaphore(%run_scoped3A : memref<!tpu.dma_semaphore, #tpu.memory_space<semaphore_mem>>) src(%dma_wait3A_79 : memref<50x128xi32, #tpu.memory_space<hbm>>) dst(%arg9 : memref<50x128xi32, #tpu.memory_space<vmem>>)
      tpu.yield
    }) : () -> ()
    %mul3A_3 = arith.constant 368 : i32
    %mul3A_4 = arith.muli %arg1, %mul3A_3 : i32
    "tpu.region"() ({
      %run_scoped3A = tpu.sem_alloc : memref<!tpu.dma_semaphore, #tpu.memory_space<semaphore_mem>>
      %dma_start3A = arith.constant 0 : i32
      %dma_start3A_73 = tpu.memref_slice %arg18[%mul3A_4, %dma_start3A] : memref<6000x128xf32, #tpu.memory_space<vmem_shared>> -> memref<480x128xf32, #tpu.memory_space<vmem_shared>>
      %dma_start3A_74 = arith.constant 0 : i32
      %dma_start3A_75 = tpu.memref_slice %arg6[%mul3A_4, %dma_start3A_74] : memref<6000x128xf32, #tpu.memory_space<hbm>> -> memref<480x128xf32, #tpu.memory_space<hbm>>
      tpu.enqueue_dma source(%dma_start3A_75 : memref<480x128xf32, #tpu.memory_space<hbm>>) target(%dma_start3A_73 : memref<480x128xf32, #tpu.memory_space<vmem_shared>>) target_semaphore(%run_scoped3A : memref<!tpu.dma_semaphore, #tpu.memory_space<semaphore_mem>>)
      %dma_wait3A_76 = arith.constant 0 : i32
      %dma_wait3A_77 = tpu.memref_slice %arg18[%mul3A_4, %dma_wait3A_76] : memref<6000x128xf32, #tpu.memory_space<vmem_shared>> -> memref<480x128xf32, #tpu.memory_space<vmem_shared>>
      %dma_wait3A_78 = arith.constant 0 : i32
      %dma_wait3A_79 = tpu.memref_slice %arg6[%mul3A_4, %dma_wait3A_78] : memref<6000x128xf32, #tpu.memory_space<hbm>> -> memref<480x128xf32, #tpu.memory_space<hbm>>
      tpu.wait_dma2 semaphore(%run_scoped3A : memref<!tpu.dma_semaphore, #tpu.memory_space<semaphore_mem>>) src(%dma_wait3A_79 : memref<480x128xf32, #tpu.memory_space<hbm>>) dst(%dma_wait3A_77 : memref<480x128xf32, #tpu.memory_space<vmem_shared>>)
      tpu.yield
    }) : () -> ()
    %barrier3A = arith.constant 0 : index
    tpu.barrier barrier_id(%barrier3A)
    %scan3A = arith.constant 0 : i32
    %scan3A_5 = arith.constant 0 : i32
    %scan3A_6 = arith.constant 25 : i32
    %scan3A_7 = arith.addi %scan3A_5, %scan3A_6 : i32
    %scan3A_8 = arith.constant 1 : i32
    scf.for %scan3A_73 = %scan3A_5 to %scan3A_7 step %scan3A_8  : i32 {
      %mul3A_74 = arith.constant 4 : i32
      %mul3A_75 = arith.muli %mul3A_74, %scan3A_73 : i32
      %add3A_76 = arith.constant 0 : i32
      %add3A_77 = arith.addi %mul3A_75, %add3A_76 : i32
      %gt3A = arith.constant 0 : i32
      %gt3A_78 = arith.cmpi sgt, %scan3A_73, %gt3A : i32
      %convert_element_type3A = arith.extui %gt3A_78 : i1 to i32
      %cond3A = arith.constant 0 : i32
      %cond3A_79 = arith.cmpi ne, %convert_element_type3A, %cond3A : i32
      scf.if %cond3A_79 {
        %jit3A_852 = arith.constant 2 : i32
        %div3A_853 = arith.divsi %add3A_77, %jit3A_852 : i32
        %sign3A_854 = arith.constant 0 : i32
        %sign3A_855 = arith.cmpi sgt, %add3A_77, %sign3A_854 : i32
        %sign3A_856 = arith.extui %sign3A_855 : i1 to i32
        %sign3A_857 = arith.constant 0 : i32
        %sign3A_858 = arith.cmpi slt, %add3A_77, %sign3A_857 : i32
        %sign3A_859 = arith.extui %sign3A_858 : i1 to i32
        %sign3A_860 = arith.subi %sign3A_856, %sign3A_859 : i32
        %sign3A_861 = arith.constant 0 : i32
        %sign3A_862 = arith.cmpi sgt, %jit3A_852, %sign3A_861 : i32
        %sign3A_863 = arith.extui %sign3A_862 : i1 to i32
        %sign3A_864 = arith.constant 0 : i32
        %sign3A_865 = arith.cmpi slt, %jit3A_852, %sign3A_864 : i32
        %sign3A_866 = arith.extui %sign3A_865 : i1 to i32
        %sign3A_867 = arith.subi %sign3A_863, %sign3A_866 : i32
        %ne3A_868 = arith.cmpi ne, %sign3A_860, %sign3A_867 : i32
        %rem3A_869 = arith.remsi %add3A_77, %jit3A_852 : i32
        %ne3A_870 = arith.constant 0 : i32
        %ne3A_871 = arith.cmpi ne, %rem3A_869, %ne3A_870 : i32
        %and3A_872 = arith.andi %ne3A_868, %ne3A_871 : i1
        %sub3A_873 = arith.constant 1 : i32
        %sub3A_874 = arith.subi %div3A_853, %sub3A_873 : i32
        %select_n3A_875 = arith.select %and3A_872, %sub3A_874, %div3A_853 : i32
        %jit3A_876 = arith.constant 2 : i32
        %eq3A_877 = arith.constant 0 : i32
        %eq3A_878 = arith.cmpi eq, %jit3A_876, %eq3A_877 : i32
        %jit3A_879 = arith.constant 1 : i32
        %select_n3A_880 = arith.select %eq3A_878, %jit3A_879, %jit3A_876 : i32
        %rem3A_881 = arith.remsi %add3A_77, %select_n3A_880 : i32
        %ne3A_882 = arith.constant 0 : i32
        %ne3A_883 = arith.cmpi ne, %rem3A_881, %ne3A_882 : i32
        %lt3A_884 = arith.constant 0 : i32
        %lt3A_885 = arith.cmpi slt, %rem3A_881, %lt3A_884 : i32
        %lt3A_886 = arith.constant 0 : i32
        %lt3A_887 = arith.cmpi slt, %select_n3A_880, %lt3A_886 : i32
        %ne3A_888 = arith.xori %lt3A_885, %lt3A_887 : i1
        %and3A_889 = arith.andi %ne3A_888, %ne3A_883 : i1
        %add3A_890 = arith.addi %rem3A_881, %select_n3A_880 : i32
        %select_n3A_891 = arith.select %and3A_889, %add3A_890, %rem3A_881 : i32
        %mul3A_892 = arith.constant 64 : i32
        %mul3A_893 = arith.muli %select_n3A_891, %mul3A_892 : i32
        %add3A_894 = arith.addi %mul3A_2, %mul3A_893 : i32
        %dma_wait3A_895 = arith.constant 0 : i32
        %dma_wait3A_896 = tpu.memref_slice %arg7[%select_n3A_875, %add3A_894, %dma_wait3A_895] : memref<50x4096x256xf32, #tpu.memory_space<hbm>> -> memref<1x64x128xf32, #tpu.memory_space<hbm>>
        %dma_wait3A_897 = tpu.memref_squeeze %dma_wait3A_896 : memref<1x64x128xf32, #tpu.memory_space<hbm>> -> memref<64x128xf32, #tpu.memory_space<hbm>>
        %dma_wait3A_898 = arith.constant 0 : i32
        %dma_wait3A_899 = tpu.memref_slice %arg7[%select_n3A_875, %add3A_894, %dma_wait3A_898] : memref<50x4096x256xf32, #tpu.memory_space<hbm>> -> memref<1x64x128xf32, #tpu.memory_space<hbm>>
        %dma_wait3A_900 = tpu.memref_squeeze %dma_wait3A_899 : memref<1x64x128xf32, #tpu.memory_space<hbm>> -> memref<64x128xf32, #tpu.memory_space<hbm>>
        tpu.wait_dma2 semaphore(%arg31 : memref<!tpu.dma_semaphore, #tpu.memory_space<semaphore_mem>>) src(%arg10 : memref<64x128xf32, #tpu.memory_space<vmem>>) dst(%dma_wait3A_900 : memref<64x128xf32, #tpu.memory_space<hbm>>)
        %dma_wait3A_901 = arith.constant 128 : i32
        %dma_wait3A_902 = tpu.memref_slice %arg7[%select_n3A_875, %add3A_894, %dma_wait3A_901] : memref<50x4096x256xf32, #tpu.memory_space<hbm>> -> memref<1x64x128xf32, #tpu.memory_space<hbm>>
        %dma_wait3A_903 = tpu.memref_squeeze %dma_wait3A_902 : memref<1x64x128xf32, #tpu.memory_space<hbm>> -> memref<64x128xf32, #tpu.memory_space<hbm>>
        %dma_wait3A_904 = arith.constant 128 : i32
        %dma_wait3A_905 = tpu.memref_slice %arg7[%select_n3A_875, %add3A_894, %dma_wait3A_904] : memref<50x4096x256xf32, #tpu.memory_space<hbm>> -> memref<1x64x128xf32, #tpu.memory_space<hbm>>
        %dma_wait3A_906 = tpu.memref_squeeze %dma_wait3A_905 : memref<1x64x128xf32, #tpu.memory_space<hbm>> -> memref<64x128xf32, #tpu.memory_space<hbm>>
        tpu.wait_dma2 semaphore(%arg31 : memref<!tpu.dma_semaphore, #tpu.memory_space<semaphore_mem>>) src(%arg14 : memref<64x128xf32, #tpu.memory_space<vmem>>) dst(%dma_wait3A_906 : memref<64x128xf32, #tpu.memory_space<hbm>>)
      } else {
      }
      %jit3A = arith.constant 2 : i32
      %div3A = arith.divsi %add3A_77, %jit3A : i32
      %sign3A = arith.constant 0 : i32
      %sign3A_80 = arith.cmpi sgt, %add3A_77, %sign3A : i32
      %sign3A_81 = arith.extui %sign3A_80 : i1 to i32
      %sign3A_82 = arith.constant 0 : i32
      %sign3A_83 = arith.cmpi slt, %add3A_77, %sign3A_82 : i32
      %sign3A_84 = arith.extui %sign3A_83 : i1 to i32
      %sign3A_85 = arith.subi %sign3A_81, %sign3A_84 : i32
      %sign3A_86 = arith.constant 0 : i32
      %sign3A_87 = arith.cmpi sgt, %jit3A, %sign3A_86 : i32
      %sign3A_88 = arith.extui %sign3A_87 : i1 to i32
      %sign3A_89 = arith.constant 0 : i32
      %sign3A_90 = arith.cmpi slt, %jit3A, %sign3A_89 : i32
      %sign3A_91 = arith.extui %sign3A_90 : i1 to i32
      %sign3A_92 = arith.subi %sign3A_88, %sign3A_91 : i32
      %ne3A = arith.cmpi ne, %sign3A_85, %sign3A_92 : i32
      %rem3A = arith.remsi %add3A_77, %jit3A : i32
      %ne3A_93 = arith.constant 0 : i32
      %ne3A_94 = arith.cmpi ne, %rem3A, %ne3A_93 : i32
      %and3A = arith.andi %ne3A, %ne3A_94 : i1
      %sub3A = arith.constant 1 : i32
      %sub3A_95 = arith.subi %div3A, %sub3A : i32
      %select_n3A = arith.select %and3A, %sub3A_95, %div3A : i32
      %jit3A_96 = arith.constant 2 : i32
      %eq3A = arith.constant 0 : i32
      %eq3A_97 = arith.cmpi eq, %jit3A_96, %eq3A : i32
      %jit3A_98 = arith.constant 1 : i32
      %select_n3A_99 = arith.select %eq3A_97, %jit3A_98, %jit3A_96 : i32
      %rem3A_100 = arith.remsi %add3A_77, %select_n3A_99 : i32
      %ne3A_101 = arith.constant 0 : i32
      %ne3A_102 = arith.cmpi ne, %rem3A_100, %ne3A_101 : i32
      %lt3A = arith.constant 0 : i32
      %lt3A_103 = arith.cmpi slt, %rem3A_100, %lt3A : i32
      %lt3A_104 = arith.constant 0 : i32
      %lt3A_105 = arith.cmpi slt, %select_n3A_99, %lt3A_104 : i32
      %ne3A_106 = arith.xori %lt3A_103, %lt3A_105 : i1
      %and3A_107 = arith.andi %ne3A_106, %ne3A_102 : i1
      %add3A_108 = arith.addi %rem3A_100, %select_n3A_99 : i32
      %select_n3A_109 = arith.select %and3A_107, %add3A_108, %rem3A_100 : i32
      %mul3A_110 = arith.constant 64 : i32
      %mul3A_111 = arith.muli %select_n3A_109, %mul3A_110 : i32
      %add3A_112 = arith.addi %mul3A_2, %mul3A_111 : i32
      %dma_start3A = arith.constant 0 : i32
      %dma_start3A_113 = tpu.memref_slice %arg4[%select_n3A, %add3A_112, %dma_start3A] : memref<50x4096x128xf32, #tpu.memory_space<hbm>> -> memref<1x64x128xf32, #tpu.memory_space<hbm>>
      %dma_start3A_114 = tpu.memref_squeeze %dma_start3A_113 : memref<1x64x128xf32, #tpu.memory_space<hbm>> -> memref<64x128xf32, #tpu.memory_space<hbm>>
      %dma_start3A_115 = arith.constant 0 : i32
      %dma_start3A_116 = tpu.memref_slice %arg4[%select_n3A, %add3A_112, %dma_start3A_115] : memref<50x4096x128xf32, #tpu.memory_space<hbm>> -> memref<1x64x128xf32, #tpu.memory_space<hbm>>
      %dma_start3A_117 = tpu.memref_squeeze %dma_start3A_116 : memref<1x64x128xf32, #tpu.memory_space<hbm>> -> memref<64x128xf32, #tpu.memory_space<hbm>>
      tpu.enqueue_dma source(%dma_start3A_117 : memref<64x128xf32, #tpu.memory_space<hbm>>) target(%arg10 : memref<64x128xf32, #tpu.memory_space<vmem>>) target_semaphore(%arg19 : memref<!tpu.dma_semaphore, #tpu.memory_space<semaphore_mem>>)
      %mul3A_118 = arith.constant 64 : i32
      %mul3A_119 = arith.muli %select_n3A_109, %mul3A_118 : i32
      %dma_start3A_120 = tpu.memref_slice %arg9[%select_n3A, %mul3A_119] : memref<50x128xi32, #tpu.memory_space<vmem>> -> memref<1x64xi32, #tpu.memory_space<vmem>>
      %dma_start3A_121 = tpu.memref_squeeze %dma_start3A_120 : memref<1x64xi32, #tpu.memory_space<vmem>> -> memref<64xi32, #tpu.memory_space<vmem>>
      %dma_start3A_122 = arith.constant 0 : i32
      %dma_start3A_123 = arith.constant 0 : i32
      %dma_start3A_124 = tpu.memref_slice %arg18[%dma_start3A_122, %dma_start3A_123] : memref<6000x128xf32, #tpu.memory_space<vmem_shared>> -> memref<6000x128xf32, #tpu.memory_space<vmem_shared>>
      tpu.enqueue_indirect_dma source(%dma_start3A_124 : memref<6000x128xf32, #tpu.memory_space<vmem_shared>>) target(%arg14 : memref<64x128xf32, #tpu.memory_space<vmem>>) offsets(%dma_start3A_121 : memref<64xi32, #tpu.memory_space<vmem>>) semaphore(%arg27 : memref<!tpu.dma_semaphore, #tpu.memory_space<semaphore_mem>>)
      %mul3A_125 = arith.constant 4 : i32
      %mul3A_126 = arith.muli %mul3A_125, %scan3A_73 : i32
      %add3A_127 = arith.constant 1 : i32
      %add3A_128 = arith.addi %mul3A_126, %add3A_127 : i32
      %gt3A_129 = arith.constant 0 : i32
      %gt3A_130 = arith.cmpi sgt, %scan3A_73, %gt3A_129 : i32
      %convert_element_type3A_131 = arith.extui %gt3A_130 : i1 to i32
      %cond3A_132 = arith.constant 0 : i32
      %cond3A_133 = arith.cmpi ne, %convert_element_type3A_131, %cond3A_132 : i32
      scf.if %cond3A_133 {
        %jit3A_852 = arith.constant 2 : i32
        %div3A_853 = arith.divsi %add3A_128, %jit3A_852 : i32
        %sign3A_854 = arith.constant 0 : i32
        %sign3A_855 = arith.cmpi sgt, %add3A_128, %sign3A_854 : i32
        %sign3A_856 = arith.extui %sign3A_855 : i1 to i32
        %sign3A_857 = arith.constant 0 : i32
        %sign3A_858 = arith.cmpi slt, %add3A_128, %sign3A_857 : i32
        %sign3A_859 = arith.extui %sign3A_858 : i1 to i32
        %sign3A_860 = arith.subi %sign3A_856, %sign3A_859 : i32
        %sign3A_861 = arith.constant 0 : i32
        %sign3A_862 = arith.cmpi sgt, %jit3A_852, %sign3A_861 : i32
        %sign3A_863 = arith.extui %sign3A_862 : i1 to i32
        %sign3A_864 = arith.constant 0 : i32
        %sign3A_865 = arith.cmpi slt, %jit3A_852, %sign3A_864 : i32
        %sign3A_866 = arith.extui %sign3A_865 : i1 to i32
        %sign3A_867 = arith.subi %sign3A_863, %sign3A_866 : i32
        %ne3A_868 = arith.cmpi ne, %sign3A_860, %sign3A_867 : i32
        %rem3A_869 = arith.remsi %add3A_128, %jit3A_852 : i32
        %ne3A_870 = arith.constant 0 : i32
        %ne3A_871 = arith.cmpi ne, %rem3A_869, %ne3A_870 : i32
        %and3A_872 = arith.andi %ne3A_868, %ne3A_871 : i1
        %sub3A_873 = arith.constant 1 : i32
        %sub3A_874 = arith.subi %div3A_853, %sub3A_873 : i32
        %select_n3A_875 = arith.select %and3A_872, %sub3A_874, %div3A_853 : i32
        %jit3A_876 = arith.constant 2 : i32
        %eq3A_877 = arith.constant 0 : i32
        %eq3A_878 = arith.cmpi eq, %jit3A_876, %eq3A_877 : i32
        %jit3A_879 = arith.constant 1 : i32
        %select_n3A_880 = arith.select %eq3A_878, %jit3A_879, %jit3A_876 : i32
        %rem3A_881 = arith.remsi %add3A_128, %select_n3A_880 : i32
        %ne3A_882 = arith.constant 0 : i32
        %ne3A_883 = arith.cmpi ne, %rem3A_881, %ne3A_882 : i32
        %lt3A_884 = arith.constant 0 : i32
        %lt3A_885 = arith.cmpi slt, %rem3A_881, %lt3A_884 : i32
        %lt3A_886 = arith.constant 0 : i32
        %lt3A_887 = arith.cmpi slt, %select_n3A_880, %lt3A_886 : i32
        %ne3A_888 = arith.xori %lt3A_885, %lt3A_887 : i1
        %and3A_889 = arith.andi %ne3A_888, %ne3A_883 : i1
        %add3A_890 = arith.addi %rem3A_881, %select_n3A_880 : i32
        %select_n3A_891 = arith.select %and3A_889, %add3A_890, %rem3A_881 : i32
        %mul3A_892 = arith.constant 64 : i32
        %mul3A_893 = arith.muli %select_n3A_891, %mul3A_892 : i32
        %add3A_894 = arith.addi %mul3A_2, %mul3A_893 : i32
        %dma_wait3A_895 = arith.constant 0 : i32
        %dma_wait3A_896 = tpu.memref_slice %arg7[%select_n3A_875, %add3A_894, %dma_wait3A_895] : memref<50x4096x256xf32, #tpu.memory_space<hbm>> -> memref<1x64x128xf32, #tpu.memory_space<hbm>>
        %dma_wait3A_897 = tpu.memref_squeeze %dma_wait3A_896 : memref<1x64x128xf32, #tpu.memory_space<hbm>> -> memref<64x128xf32, #tpu.memory_space<hbm>>
        %dma_wait3A_898 = arith.constant 0 : i32
        %dma_wait3A_899 = tpu.memref_slice %arg7[%select_n3A_875, %add3A_894, %dma_wait3A_898] : memref<50x4096x256xf32, #tpu.memory_space<hbm>> -> memref<1x64x128xf32, #tpu.memory_space<hbm>>
        %dma_wait3A_900 = tpu.memref_squeeze %dma_wait3A_899 : memref<1x64x128xf32, #tpu.memory_space<hbm>> -> memref<64x128xf32, #tpu.memory_space<hbm>>
        tpu.wait_dma2 semaphore(%arg32 : memref<!tpu.dma_semaphore, #tpu.memory_space<semaphore_mem>>) src(%arg11 : memref<64x128xf32, #tpu.memory_space<vmem>>) dst(%dma_wait3A_900 : memref<64x128xf32, #tpu.memory_space<hbm>>)
        %dma_wait3A_901 = arith.constant 128 : i32
        %dma_wait3A_902 = tpu.memref_slice %arg7[%select_n3A_875, %add3A_894, %dma_wait3A_901] : memref<50x4096x256xf32, #tpu.memory_space<hbm>> -> memref<1x64x128xf32, #tpu.memory_space<hbm>>
        %dma_wait3A_903 = tpu.memref_squeeze %dma_wait3A_902 : memref<1x64x128xf32, #tpu.memory_space<hbm>> -> memref<64x128xf32, #tpu.memory_space<hbm>>
        %dma_wait3A_904 = arith.constant 128 : i32
        %dma_wait3A_905 = tpu.memref_slice %arg7[%select_n3A_875, %add3A_894, %dma_wait3A_904] : memref<50x4096x256xf32, #tpu.memory_space<hbm>> -> memref<1x64x128xf32, #tpu.memory_space<hbm>>
        %dma_wait3A_906 = tpu.memref_squeeze %dma_wait3A_905 : memref<1x64x128xf32, #tpu.memory_space<hbm>> -> memref<64x128xf32, #tpu.memory_space<hbm>>
        tpu.wait_dma2 semaphore(%arg32 : memref<!tpu.dma_semaphore, #tpu.memory_space<semaphore_mem>>) src(%arg15 : memref<64x128xf32, #tpu.memory_space<vmem>>) dst(%dma_wait3A_906 : memref<64x128xf32, #tpu.memory_space<hbm>>)
      } else {
      }
      %jit3A_134 = arith.constant 2 : i32
      %div3A_135 = arith.divsi %add3A_128, %jit3A_134 : i32
      %sign3A_136 = arith.constant 0 : i32
      %sign3A_137 = arith.cmpi sgt, %add3A_128, %sign3A_136 : i32
      %sign3A_138 = arith.extui %sign3A_137 : i1 to i32
      %sign3A_139 = arith.constant 0 : i32
      %sign3A_140 = arith.cmpi slt, %add3A_128, %sign3A_139 : i32
      %sign3A_141 = arith.extui %sign3A_140 : i1 to i32
      %sign3A_142 = arith.subi %sign3A_138, %sign3A_141 : i32
      %sign3A_143 = arith.constant 0 : i32
      %sign3A_144 = arith.cmpi sgt, %jit3A_134, %sign3A_143 : i32
      %sign3A_145 = arith.extui %sign3A_144 : i1 to i32
      %sign3A_146 = arith.constant 0 : i32
      %sign3A_147 = arith.cmpi slt, %jit3A_134, %sign3A_146 : i32
      %sign3A_148 = arith.extui %sign3A_147 : i1 to i32
      %sign3A_149 = arith.subi %sign3A_145, %sign3A_148 : i32
      %ne3A_150 = arith.cmpi ne, %sign3A_142, %sign3A_149 : i32
      %rem3A_151 = arith.remsi %add3A_128, %jit3A_134 : i32
      %ne3A_152 = arith.constant 0 : i32
      %ne3A_153 = arith.cmpi ne, %rem3A_151, %ne3A_152 : i32
      %and3A_154 = arith.andi %ne3A_150, %ne3A_153 : i1
      %sub3A_155 = arith.constant 1 : i32
      %sub3A_156 = arith.subi %div3A_135, %sub3A_155 : i32
      %select_n3A_157 = arith.select %and3A_154, %sub3A_156, %div3A_135 : i32
      %jit3A_158 = arith.constant 2 : i32
      %eq3A_159 = arith.constant 0 : i32
      %eq3A_160 = arith.cmpi eq, %jit3A_158, %eq3A_159 : i32
      %jit3A_161 = arith.constant 1 : i32
      %select_n3A_162 = arith.select %eq3A_160, %jit3A_161, %jit3A_158 : i32
      %rem3A_163 = arith.remsi %add3A_128, %select_n3A_162 : i32
      %ne3A_164 = arith.constant 0 : i32
      %ne3A_165 = arith.cmpi ne, %rem3A_163, %ne3A_164 : i32
      %lt3A_166 = arith.constant 0 : i32
      %lt3A_167 = arith.cmpi slt, %rem3A_163, %lt3A_166 : i32
      %lt3A_168 = arith.constant 0 : i32
      %lt3A_169 = arith.cmpi slt, %select_n3A_162, %lt3A_168 : i32
      %ne3A_170 = arith.xori %lt3A_167, %lt3A_169 : i1
      %and3A_171 = arith.andi %ne3A_170, %ne3A_165 : i1
      %add3A_172 = arith.addi %rem3A_163, %select_n3A_162 : i32
      %select_n3A_173 = arith.select %and3A_171, %add3A_172, %rem3A_163 : i32
      %mul3A_174 = arith.constant 64 : i32
      %mul3A_175 = arith.muli %select_n3A_173, %mul3A_174 : i32
      %add3A_176 = arith.addi %mul3A_2, %mul3A_175 : i32
      %dma_start3A_177 = arith.constant 0 : i32
      %dma_start3A_178 = tpu.memref_slice %arg4[%select_n3A_157, %add3A_176, %dma_start3A_177] : memref<50x4096x128xf32, #tpu.memory_space<hbm>> -> memref<1x64x128xf32, #tpu.memory_space<hbm>>
      %dma_start3A_179 = tpu.memref_squeeze %dma_start3A_178 : memref<1x64x128xf32, #tpu.memory_space<hbm>> -> memref<64x128xf32, #tpu.memory_space<hbm>>
      %dma_start3A_180 = arith.constant 0 : i32
      %dma_start3A_181 = tpu.memref_slice %arg4[%select_n3A_157, %add3A_176, %dma_start3A_180] : memref<50x4096x128xf32, #tpu.memory_space<hbm>> -> memref<1x64x128xf32, #tpu.memory_space<hbm>>
      %dma_start3A_182 = tpu.memref_squeeze %dma_start3A_181 : memref<1x64x128xf32, #tpu.memory_space<hbm>> -> memref<64x128xf32, #tpu.memory_space<hbm>>
      tpu.enqueue_dma source(%dma_start3A_182 : memref<64x128xf32, #tpu.memory_space<hbm>>) target(%arg11 : memref<64x128xf32, #tpu.memory_space<vmem>>) target_semaphore(%arg20 : memref<!tpu.dma_semaphore, #tpu.memory_space<semaphore_mem>>)
      %mul3A_183 = arith.constant 64 : i32
      %mul3A_184 = arith.muli %select_n3A_173, %mul3A_183 : i32
      %dma_start3A_185 = tpu.memref_slice %arg9[%select_n3A_157, %mul3A_184] : memref<50x128xi32, #tpu.memory_space<vmem>> -> memref<1x64xi32, #tpu.memory_space<vmem>>
      %dma_start3A_186 = tpu.memref_squeeze %dma_start3A_185 : memref<1x64xi32, #tpu.memory_space<vmem>> -> memref<64xi32, #tpu.memory_space<vmem>>
      %dma_start3A_187 = arith.constant 0 : i32
      %dma_start3A_188 = arith.constant 0 : i32
      %dma_start3A_189 = tpu.memref_slice %arg18[%dma_start3A_187, %dma_start3A_188] : memref<6000x128xf32, #tpu.memory_space<vmem_shared>> -> memref<6000x128xf32, #tpu.memory_space<vmem_shared>>
      tpu.enqueue_indirect_dma source(%dma_start3A_189 : memref<6000x128xf32, #tpu.memory_space<vmem_shared>>) target(%arg15 : memref<64x128xf32, #tpu.memory_space<vmem>>) offsets(%dma_start3A_186 : memref<64xi32, #tpu.memory_space<vmem>>) semaphore(%arg28 : memref<!tpu.dma_semaphore, #tpu.memory_space<semaphore_mem>>)
      %mul3A_190 = arith.constant 4 : i32
      %mul3A_191 = arith.muli %mul3A_190, %scan3A_73 : i32
      %add3A_192 = arith.constant 2 : i32
      %add3A_193 = arith.addi %mul3A_191, %add3A_192 : i32
      %gt3A_194 = arith.constant 0 : i32
      %gt3A_195 = arith.cmpi sgt, %scan3A_73, %gt3A_194 : i32
      %convert_element_type3A_196 = arith.extui %gt3A_195 : i1 to i32
      %cond3A_197 = arith.constant 0 : i32
      %cond3A_198 = arith.cmpi ne, %convert_element_type3A_196, %cond3A_197 : i32
      scf.if %cond3A_198 {
        %jit3A_852 = arith.constant 2 : i32
        %div3A_853 = arith.divsi %add3A_193, %jit3A_852 : i32
        %sign3A_854 = arith.constant 0 : i32
        %sign3A_855 = arith.cmpi sgt, %add3A_193, %sign3A_854 : i32
        %sign3A_856 = arith.extui %sign3A_855 : i1 to i32
        %sign3A_857 = arith.constant 0 : i32
        %sign3A_858 = arith.cmpi slt, %add3A_193, %sign3A_857 : i32
        %sign3A_859 = arith.extui %sign3A_858 : i1 to i32
        %sign3A_860 = arith.subi %sign3A_856, %sign3A_859 : i32
        %sign3A_861 = arith.constant 0 : i32
        %sign3A_862 = arith.cmpi sgt, %jit3A_852, %sign3A_861 : i32
        %sign3A_863 = arith.extui %sign3A_862 : i1 to i32
        %sign3A_864 = arith.constant 0 : i32
        %sign3A_865 = arith.cmpi slt, %jit3A_852, %sign3A_864 : i32
        %sign3A_866 = arith.extui %sign3A_865 : i1 to i32
        %sign3A_867 = arith.subi %sign3A_863, %sign3A_866 : i32
        %ne3A_868 = arith.cmpi ne, %sign3A_860, %sign3A_867 : i32
        %rem3A_869 = arith.remsi %add3A_193, %jit3A_852 : i32
        %ne3A_870 = arith.constant 0 : i32
        %ne3A_871 = arith.cmpi ne, %rem3A_869, %ne3A_870 : i32
        %and3A_872 = arith.andi %ne3A_868, %ne3A_871 : i1
        %sub3A_873 = arith.constant 1 : i32
        %sub3A_874 = arith.subi %div3A_853, %sub3A_873 : i32
        %select_n3A_875 = arith.select %and3A_872, %sub3A_874, %div3A_853 : i32
        %jit3A_876 = arith.constant 2 : i32
        %eq3A_877 = arith.constant 0 : i32
        %eq3A_878 = arith.cmpi eq, %jit3A_876, %eq3A_877 : i32
        %jit3A_879 = arith.constant 1 : i32
        %select_n3A_880 = arith.select %eq3A_878, %jit3A_879, %jit3A_876 : i32
        %rem3A_881 = arith.remsi %add3A_193, %select_n3A_880 : i32
        %ne3A_882 = arith.constant 0 : i32
        %ne3A_883 = arith.cmpi ne, %rem3A_881, %ne3A_882 : i32
        %lt3A_884 = arith.constant 0 : i32
        %lt3A_885 = arith.cmpi slt, %rem3A_881, %lt3A_884 : i32
        %lt3A_886 = arith.constant 0 : i32
        %lt3A_887 = arith.cmpi slt, %select_n3A_880, %lt3A_886 : i32
        %ne3A_888 = arith.xori %lt3A_885, %lt3A_887 : i1
        %and3A_889 = arith.andi %ne3A_888, %ne3A_883 : i1
        %add3A_890 = arith.addi %rem3A_881, %select_n3A_880 : i32
        %select_n3A_891 = arith.select %and3A_889, %add3A_890, %rem3A_881 : i32
        %mul3A_892 = arith.constant 64 : i32
        %mul3A_893 = arith.muli %select_n3A_891, %mul3A_892 : i32
        %add3A_894 = arith.addi %mul3A_2, %mul3A_893 : i32
        %dma_wait3A_895 = arith.constant 0 : i32
        %dma_wait3A_896 = tpu.memref_slice %arg7[%select_n3A_875, %add3A_894, %dma_wait3A_895] : memref<50x4096x256xf32, #tpu.memory_space<hbm>> -> memref<1x64x128xf32, #tpu.memory_space<hbm>>
        %dma_wait3A_897 = tpu.memref_squeeze %dma_wait3A_896 : memref<1x64x128xf32, #tpu.memory_space<hbm>> -> memref<64x128xf32, #tpu.memory_space<hbm>>
        %dma_wait3A_898 = arith.constant 0 : i32
        %dma_wait3A_899 = tpu.memref_slice %arg7[%select_n3A_875, %add3A_894, %dma_wait3A_898] : memref<50x4096x256xf32, #tpu.memory_space<hbm>> -> memref<1x64x128xf32, #tpu.memory_space<hbm>>
        %dma_wait3A_900 = tpu.memref_squeeze %dma_wait3A_899 : memref<1x64x128xf32, #tpu.memory_space<hbm>> -> memref<64x128xf32, #tpu.memory_space<hbm>>
        tpu.wait_dma2 semaphore(%arg33 : memref<!tpu.dma_semaphore, #tpu.memory_space<semaphore_mem>>) src(%arg12 : memref<64x128xf32, #tpu.memory_space<vmem>>) dst(%dma_wait3A_900 : memref<64x128xf32, #tpu.memory_space<hbm>>)
        %dma_wait3A_901 = arith.constant 128 : i32
        %dma_wait3A_902 = tpu.memref_slice %arg7[%select_n3A_875, %add3A_894, %dma_wait3A_901] : memref<50x4096x256xf32, #tpu.memory_space<hbm>> -> memref<1x64x128xf32, #tpu.memory_space<hbm>>
        %dma_wait3A_903 = tpu.memref_squeeze %dma_wait3A_902 : memref<1x64x128xf32, #tpu.memory_space<hbm>> -> memref<64x128xf32, #tpu.memory_space<hbm>>
        %dma_wait3A_904 = arith.constant 128 : i32
        %dma_wait3A_905 = tpu.memref_slice %arg7[%select_n3A_875, %add3A_894, %dma_wait3A_904] : memref<50x4096x256xf32, #tpu.memory_space<hbm>> -> memref<1x64x128xf32, #tpu.memory_space<hbm>>
        %dma_wait3A_906 = tpu.memref_squeeze %dma_wait3A_905 : memref<1x64x128xf32, #tpu.memory_space<hbm>> -> memref<64x128xf32, #tpu.memory_space<hbm>>
        tpu.wait_dma2 semaphore(%arg33 : memref<!tpu.dma_semaphore, #tpu.memory_space<semaphore_mem>>) src(%arg16 : memref<64x128xf32, #tpu.memory_space<vmem>>) dst(%dma_wait3A_906 : memref<64x128xf32, #tpu.memory_space<hbm>>)
      } else {
      }
      %jit3A_199 = arith.constant 2 : i32
      %div3A_200 = arith.divsi %add3A_193, %jit3A_199 : i32
      %sign3A_201 = arith.constant 0 : i32
      %sign3A_202 = arith.cmpi sgt, %add3A_193, %sign3A_201 : i32
      %sign3A_203 = arith.extui %sign3A_202 : i1 to i32
      %sign3A_204 = arith.constant 0 : i32
      %sign3A_205 = arith.cmpi slt, %add3A_193, %sign3A_204 : i32
      %sign3A_206 = arith.extui %sign3A_205 : i1 to i32
      %sign3A_207 = arith.subi %sign3A_203, %sign3A_206 : i32
      %sign3A_208 = arith.constant 0 : i32
      %sign3A_209 = arith.cmpi sgt, %jit3A_199, %sign3A_208 : i32
      %sign3A_210 = arith.extui %sign3A_209 : i1 to i32
      %sign3A_211 = arith.constant 0 : i32
      %sign3A_212 = arith.cmpi slt, %jit3A_199, %sign3A_211 : i32
      %sign3A_213 = arith.extui %sign3A_212 : i1 to i32
      %sign3A_214 = arith.subi %sign3A_210, %sign3A_213 : i32
      %ne3A_215 = arith.cmpi ne, %sign3A_207, %sign3A_214 : i32
      %rem3A_216 = arith.remsi %add3A_193, %jit3A_199 : i32
      %ne3A_217 = arith.constant 0 : i32
      %ne3A_218 = arith.cmpi ne, %rem3A_216, %ne3A_217 : i32
      %and3A_219 = arith.andi %ne3A_215, %ne3A_218 : i1
      %sub3A_220 = arith.constant 1 : i32
      %sub3A_221 = arith.subi %div3A_200, %sub3A_220 : i32
      %select_n3A_222 = arith.select %and3A_219, %sub3A_221, %div3A_200 : i32
      %jit3A_223 = arith.constant 2 : i32
      %eq3A_224 = arith.constant 0 : i32
      %eq3A_225 = arith.cmpi eq, %jit3A_223, %eq3A_224 : i32
      %jit3A_226 = arith.constant 1 : i32
      %select_n3A_227 = arith.select %eq3A_225, %jit3A_226, %jit3A_223 : i32
      %rem3A_228 = arith.remsi %add3A_193, %select_n3A_227 : i32
      %ne3A_229 = arith.constant 0 : i32
      %ne3A_230 = arith.cmpi ne, %rem3A_228, %ne3A_229 : i32
      %lt3A_231 = arith.constant 0 : i32
      %lt3A_232 = arith.cmpi slt, %rem3A_228, %lt3A_231 : i32
      %lt3A_233 = arith.constant 0 : i32
      %lt3A_234 = arith.cmpi slt, %select_n3A_227, %lt3A_233 : i32
      %ne3A_235 = arith.xori %lt3A_232, %lt3A_234 : i1
      %and3A_236 = arith.andi %ne3A_235, %ne3A_230 : i1
      %add3A_237 = arith.addi %rem3A_228, %select_n3A_227 : i32
      %select_n3A_238 = arith.select %and3A_236, %add3A_237, %rem3A_228 : i32
      %mul3A_239 = arith.constant 64 : i32
      %mul3A_240 = arith.muli %select_n3A_238, %mul3A_239 : i32
      %add3A_241 = arith.addi %mul3A_2, %mul3A_240 : i32
      %dma_start3A_242 = arith.constant 0 : i32
      %dma_start3A_243 = tpu.memref_slice %arg4[%select_n3A_222, %add3A_241, %dma_start3A_242] : memref<50x4096x128xf32, #tpu.memory_space<hbm>> -> memref<1x64x128xf32, #tpu.memory_space<hbm>>
      %dma_start3A_244 = tpu.memref_squeeze %dma_start3A_243 : memref<1x64x128xf32, #tpu.memory_space<hbm>> -> memref<64x128xf32, #tpu.memory_space<hbm>>
      %dma_start3A_245 = arith.constant 0 : i32
      %dma_start3A_246 = tpu.memref_slice %arg4[%select_n3A_222, %add3A_241, %dma_start3A_245] : memref<50x4096x128xf32, #tpu.memory_space<hbm>> -> memref<1x64x128xf32, #tpu.memory_space<hbm>>
      %dma_start3A_247 = tpu.memref_squeeze %dma_start3A_246 : memref<1x64x128xf32, #tpu.memory_space<hbm>> -> memref<64x128xf32, #tpu.memory_space<hbm>>
      tpu.enqueue_dma source(%dma_start3A_247 : memref<64x128xf32, #tpu.memory_space<hbm>>) target(%arg12 : memref<64x128xf32, #tpu.memory_space<vmem>>) target_semaphore(%arg21 : memref<!tpu.dma_semaphore, #tpu.memory_space<semaphore_mem>>)
      %mul3A_248 = arith.constant 64 : i32
      %mul3A_249 = arith.muli %select_n3A_238, %mul3A_248 : i32
      %dma_start3A_250 = tpu.memref_slice %arg9[%select_n3A_222, %mul3A_249] : memref<50x128xi32, #tpu.memory_space<vmem>> -> memref<1x64xi32, #tpu.memory_space<vmem>>
      %dma_start3A_251 = tpu.memref_squeeze %dma_start3A_250 : memref<1x64xi32, #tpu.memory_space<vmem>> -> memref<64xi32, #tpu.memory_space<vmem>>
      %dma_start3A_252 = arith.constant 0 : i32
      %dma_start3A_253 = arith.constant 0 : i32
      %dma_start3A_254 = tpu.memref_slice %arg18[%dma_start3A_252, %dma_start3A_253] : memref<6000x128xf32, #tpu.memory_space<vmem_shared>> -> memref<6000x128xf32, #tpu.memory_space<vmem_shared>>
      tpu.enqueue_indirect_dma source(%dma_start3A_254 : memref<6000x128xf32, #tpu.memory_space<vmem_shared>>) target(%arg16 : memref<64x128xf32, #tpu.memory_space<vmem>>) offsets(%dma_start3A_251 : memref<64xi32, #tpu.memory_space<vmem>>) semaphore(%arg29 : memref<!tpu.dma_semaphore, #tpu.memory_space<semaphore_mem>>)
      %mul3A_255 = arith.constant 4 : i32
      %mul3A_256 = arith.muli %mul3A_255, %scan3A_73 : i32
      %add3A_257 = arith.constant 3 : i32
      %add3A_258 = arith.addi %mul3A_256, %add3A_257 : i32
      %gt3A_259 = arith.constant 0 : i32
      %gt3A_260 = arith.cmpi sgt, %scan3A_73, %gt3A_259 : i32
      %convert_element_type3A_261 = arith.extui %gt3A_260 : i1 to i32
      %cond3A_262 = arith.constant 0 : i32
      %cond3A_263 = arith.cmpi ne, %convert_element_type3A_261, %cond3A_262 : i32
      scf.if %cond3A_263 {
        %jit3A_852 = arith.constant 2 : i32
        %div3A_853 = arith.divsi %add3A_258, %jit3A_852 : i32
        %sign3A_854 = arith.constant 0 : i32
        %sign3A_855 = arith.cmpi sgt, %add3A_258, %sign3A_854 : i32
        %sign3A_856 = arith.extui %sign3A_855 : i1 to i32
        %sign3A_857 = arith.constant 0 : i32
        %sign3A_858 = arith.cmpi slt, %add3A_258, %sign3A_857 : i32
        %sign3A_859 = arith.extui %sign3A_858 : i1 to i32
        %sign3A_860 = arith.subi %sign3A_856, %sign3A_859 : i32
        %sign3A_861 = arith.constant 0 : i32
        %sign3A_862 = arith.cmpi sgt, %jit3A_852, %sign3A_861 : i32
        %sign3A_863 = arith.extui %sign3A_862 : i1 to i32
        %sign3A_864 = arith.constant 0 : i32
        %sign3A_865 = arith.cmpi slt, %jit3A_852, %sign3A_864 : i32
        %sign3A_866 = arith.extui %sign3A_865 : i1 to i32
        %sign3A_867 = arith.subi %sign3A_863, %sign3A_866 : i32
        %ne3A_868 = arith.cmpi ne, %sign3A_860, %sign3A_867 : i32
        %rem3A_869 = arith.remsi %add3A_258, %jit3A_852 : i32
        %ne3A_870 = arith.constant 0 : i32
        %ne3A_871 = arith.cmpi ne, %rem3A_869, %ne3A_870 : i32
        %and3A_872 = arith.andi %ne3A_868, %ne3A_871 : i1
        %sub3A_873 = arith.constant 1 : i32
        %sub3A_874 = arith.subi %div3A_853, %sub3A_873 : i32
        %select_n3A_875 = arith.select %and3A_872, %sub3A_874, %div3A_853 : i32
        %jit3A_876 = arith.constant 2 : i32
        %eq3A_877 = arith.constant 0 : i32
        %eq3A_878 = arith.cmpi eq, %jit3A_876, %eq3A_877 : i32
        %jit3A_879 = arith.constant 1 : i32
        %select_n3A_880 = arith.select %eq3A_878, %jit3A_879, %jit3A_876 : i32
        %rem3A_881 = arith.remsi %add3A_258, %select_n3A_880 : i32
        %ne3A_882 = arith.constant 0 : i32
        %ne3A_883 = arith.cmpi ne, %rem3A_881, %ne3A_882 : i32
        %lt3A_884 = arith.constant 0 : i32
        %lt3A_885 = arith.cmpi slt, %rem3A_881, %lt3A_884 : i32
        %lt3A_886 = arith.constant 0 : i32
        %lt3A_887 = arith.cmpi slt, %select_n3A_880, %lt3A_886 : i32
        %ne3A_888 = arith.xori %lt3A_885, %lt3A_887 : i1
        %and3A_889 = arith.andi %ne3A_888, %ne3A_883 : i1
        %add3A_890 = arith.addi %rem3A_881, %select_n3A_880 : i32
        %select_n3A_891 = arith.select %and3A_889, %add3A_890, %rem3A_881 : i32
        %mul3A_892 = arith.constant 64 : i32
        %mul3A_893 = arith.muli %select_n3A_891, %mul3A_892 : i32
        %add3A_894 = arith.addi %mul3A_2, %mul3A_893 : i32
        %dma_wait3A_895 = arith.constant 0 : i32
        %dma_wait3A_896 = tpu.memref_slice %arg7[%select_n3A_875, %add3A_894, %dma_wait3A_895] : memref<50x4096x256xf32, #tpu.memory_space<hbm>> -> memref<1x64x128xf32, #tpu.memory_space<hbm>>
        %dma_wait3A_897 = tpu.memref_squeeze %dma_wait3A_896 : memref<1x64x128xf32, #tpu.memory_space<hbm>> -> memref<64x128xf32, #tpu.memory_space<hbm>>
        %dma_wait3A_898 = arith.constant 0 : i32
        %dma_wait3A_899 = tpu.memref_slice %arg7[%select_n3A_875, %add3A_894, %dma_wait3A_898] : memref<50x4096x256xf32, #tpu.memory_space<hbm>> -> memref<1x64x128xf32, #tpu.memory_space<hbm>>
        %dma_wait3A_900 = tpu.memref_squeeze %dma_wait3A_899 : memref<1x64x128xf32, #tpu.memory_space<hbm>> -> memref<64x128xf32, #tpu.memory_space<hbm>>
        tpu.wait_dma2 semaphore(%arg34 : memref<!tpu.dma_semaphore, #tpu.memory_space<semaphore_mem>>) src(%arg13 : memref<64x128xf32, #tpu.memory_space<vmem>>) dst(%dma_wait3A_900 : memref<64x128xf32, #tpu.memory_space<hbm>>)
        %dma_wait3A_901 = arith.constant 128 : i32
        %dma_wait3A_902 = tpu.memref_slice %arg7[%select_n3A_875, %add3A_894, %dma_wait3A_901] : memref<50x4096x256xf32, #tpu.memory_space<hbm>> -> memref<1x64x128xf32, #tpu.memory_space<hbm>>
        %dma_wait3A_903 = tpu.memref_squeeze %dma_wait3A_902 : memref<1x64x128xf32, #tpu.memory_space<hbm>> -> memref<64x128xf32, #tpu.memory_space<hbm>>
        %dma_wait3A_904 = arith.constant 128 : i32
        %dma_wait3A_905 = tpu.memref_slice %arg7[%select_n3A_875, %add3A_894, %dma_wait3A_904] : memref<50x4096x256xf32, #tpu.memory_space<hbm>> -> memref<1x64x128xf32, #tpu.memory_space<hbm>>
        %dma_wait3A_906 = tpu.memref_squeeze %dma_wait3A_905 : memref<1x64x128xf32, #tpu.memory_space<hbm>> -> memref<64x128xf32, #tpu.memory_space<hbm>>
        tpu.wait_dma2 semaphore(%arg34 : memref<!tpu.dma_semaphore, #tpu.memory_space<semaphore_mem>>) src(%arg17 : memref<64x128xf32, #tpu.memory_space<vmem>>) dst(%dma_wait3A_906 : memref<64x128xf32, #tpu.memory_space<hbm>>)
      } else {
      }
      %jit3A_264 = arith.constant 2 : i32
      %div3A_265 = arith.divsi %add3A_258, %jit3A_264 : i32
      %sign3A_266 = arith.constant 0 : i32
      %sign3A_267 = arith.cmpi sgt, %add3A_258, %sign3A_266 : i32
      %sign3A_268 = arith.extui %sign3A_267 : i1 to i32
      %sign3A_269 = arith.constant 0 : i32
      %sign3A_270 = arith.cmpi slt, %add3A_258, %sign3A_269 : i32
      %sign3A_271 = arith.extui %sign3A_270 : i1 to i32
      %sign3A_272 = arith.subi %sign3A_268, %sign3A_271 : i32
      %sign3A_273 = arith.constant 0 : i32
      %sign3A_274 = arith.cmpi sgt, %jit3A_264, %sign3A_273 : i32
      %sign3A_275 = arith.extui %sign3A_274 : i1 to i32
      %sign3A_276 = arith.constant 0 : i32
      %sign3A_277 = arith.cmpi slt, %jit3A_264, %sign3A_276 : i32
      %sign3A_278 = arith.extui %sign3A_277 : i1 to i32
      %sign3A_279 = arith.subi %sign3A_275, %sign3A_278 : i32
      %ne3A_280 = arith.cmpi ne, %sign3A_272, %sign3A_279 : i32
      %rem3A_281 = arith.remsi %add3A_258, %jit3A_264 : i32
      %ne3A_282 = arith.constant 0 : i32
      %ne3A_283 = arith.cmpi ne, %rem3A_281, %ne3A_282 : i32
      %and3A_284 = arith.andi %ne3A_280, %ne3A_283 : i1
      %sub3A_285 = arith.constant 1 : i32
      %sub3A_286 = arith.subi %div3A_265, %sub3A_285 : i32
      %select_n3A_287 = arith.select %and3A_284, %sub3A_286, %div3A_265 : i32
      %jit3A_288 = arith.constant 2 : i32
      %eq3A_289 = arith.constant 0 : i32
      %eq3A_290 = arith.cmpi eq, %jit3A_288, %eq3A_289 : i32
      %jit3A_291 = arith.constant 1 : i32
      %select_n3A_292 = arith.select %eq3A_290, %jit3A_291, %jit3A_288 : i32
      %rem3A_293 = arith.remsi %add3A_258, %select_n3A_292 : i32
      %ne3A_294 = arith.constant 0 : i32
      %ne3A_295 = arith.cmpi ne, %rem3A_293, %ne3A_294 : i32
      %lt3A_296 = arith.constant 0 : i32
      %lt3A_297 = arith.cmpi slt, %rem3A_293, %lt3A_296 : i32
      %lt3A_298 = arith.constant 0 : i32
      %lt3A_299 = arith.cmpi slt, %select_n3A_292, %lt3A_298 : i32
      %ne3A_300 = arith.xori %lt3A_297, %lt3A_299 : i1
      %and3A_301 = arith.andi %ne3A_300, %ne3A_295 : i1
      %add3A_302 = arith.addi %rem3A_293, %select_n3A_292 : i32
      %select_n3A_303 = arith.select %and3A_301, %add3A_302, %rem3A_293 : i32
      %mul3A_304 = arith.constant 64 : i32
      %mul3A_305 = arith.muli %select_n3A_303, %mul3A_304 : i32
      %add3A_306 = arith.addi %mul3A_2, %mul3A_305 : i32
      %dma_start3A_307 = arith.constant 0 : i32
      %dma_start3A_308 = tpu.memref_slice %arg4[%select_n3A_287, %add3A_306, %dma_start3A_307] : memref<50x4096x128xf32, #tpu.memory_space<hbm>> -> memref<1x64x128xf32, #tpu.memory_space<hbm>>
      %dma_start3A_309 = tpu.memref_squeeze %dma_start3A_308 : memref<1x64x128xf32, #tpu.memory_space<hbm>> -> memref<64x128xf32, #tpu.memory_space<hbm>>
      %dma_start3A_310 = arith.constant 0 : i32
      %dma_start3A_311 = tpu.memref_slice %arg4[%select_n3A_287, %add3A_306, %dma_start3A_310] : memref<50x4096x128xf32, #tpu.memory_space<hbm>> -> memref<1x64x128xf32, #tpu.memory_space<hbm>>
      %dma_start3A_312 = tpu.memref_squeeze %dma_start3A_311 : memref<1x64x128xf32, #tpu.memory_space<hbm>> -> memref<64x128xf32, #tpu.memory_space<hbm>>
      tpu.enqueue_dma source(%dma_start3A_312 : memref<64x128xf32, #tpu.memory_space<hbm>>) target(%arg13 : memref<64x128xf32, #tpu.memory_space<vmem>>) target_semaphore(%arg22 : memref<!tpu.dma_semaphore, #tpu.memory_space<semaphore_mem>>)
      %mul3A_313 = arith.constant 64 : i32
      %mul3A_314 = arith.muli %select_n3A_303, %mul3A_313 : i32
      %dma_start3A_315 = tpu.memref_slice %arg9[%select_n3A_287, %mul3A_314] : memref<50x128xi32, #tpu.memory_space<vmem>> -> memref<1x64xi32, #tpu.memory_space<vmem>>
      %dma_start3A_316 = tpu.memref_squeeze %dma_start3A_315 : memref<1x64xi32, #tpu.memory_space<vmem>> -> memref<64xi32, #tpu.memory_space<vmem>>
      %dma_start3A_317 = arith.constant 0 : i32
      %dma_start3A_318 = arith.constant 0 : i32
      %dma_start3A_319 = tpu.memref_slice %arg18[%dma_start3A_317, %dma_start3A_318] : memref<6000x128xf32, #tpu.memory_space<vmem_shared>> -> memref<6000x128xf32, #tpu.memory_space<vmem_shared>>
      tpu.enqueue_indirect_dma source(%dma_start3A_319 : memref<6000x128xf32, #tpu.memory_space<vmem_shared>>) target(%arg17 : memref<64x128xf32, #tpu.memory_space<vmem>>) offsets(%dma_start3A_316 : memref<64xi32, #tpu.memory_space<vmem>>) semaphore(%arg30 : memref<!tpu.dma_semaphore, #tpu.memory_space<semaphore_mem>>)
      %mul3A_320 = arith.constant 4 : i32
      %mul3A_321 = arith.muli %mul3A_320, %scan3A_73 : i32
      %add3A_322 = arith.constant 0 : i32
      %add3A_323 = arith.addi %mul3A_321, %add3A_322 : i32
      %jit3A_324 = arith.constant 2 : i32
      %div3A_325 = arith.divsi %add3A_323, %jit3A_324 : i32
      %sign3A_326 = arith.constant 0 : i32
      %sign3A_327 = arith.cmpi sgt, %add3A_323, %sign3A_326 : i32
      %sign3A_328 = arith.extui %sign3A_327 : i1 to i32
      %sign3A_329 = arith.constant 0 : i32
      %sign3A_330 = arith.cmpi slt, %add3A_323, %sign3A_329 : i32
      %sign3A_331 = arith.extui %sign3A_330 : i1 to i32
      %sign3A_332 = arith.subi %sign3A_328, %sign3A_331 : i32
      %sign3A_333 = arith.constant 0 : i32
      %sign3A_334 = arith.cmpi sgt, %jit3A_324, %sign3A_333 : i32
      %sign3A_335 = arith.extui %sign3A_334 : i1 to i32
      %sign3A_336 = arith.constant 0 : i32
      %sign3A_337 = arith.cmpi slt, %jit3A_324, %sign3A_336 : i32
      %sign3A_338 = arith.extui %sign3A_337 : i1 to i32
      %sign3A_339 = arith.subi %sign3A_335, %sign3A_338 : i32
      %ne3A_340 = arith.cmpi ne, %sign3A_332, %sign3A_339 : i32
      %rem3A_341 = arith.remsi %add3A_323, %jit3A_324 : i32
      %ne3A_342 = arith.constant 0 : i32
      %ne3A_343 = arith.cmpi ne, %rem3A_341, %ne3A_342 : i32
      %and3A_344 = arith.andi %ne3A_340, %ne3A_343 : i1
      %sub3A_345 = arith.constant 1 : i32
      %sub3A_346 = arith.subi %div3A_325, %sub3A_345 : i32
      %select_n3A_347 = arith.select %and3A_344, %sub3A_346, %div3A_325 : i32
      %jit3A_348 = arith.constant 2 : i32
      %eq3A_349 = arith.constant 0 : i32
      %eq3A_350 = arith.cmpi eq, %jit3A_348, %eq3A_349 : i32
      %jit3A_351 = arith.constant 1 : i32
      %select_n3A_352 = arith.select %eq3A_350, %jit3A_351, %jit3A_348 : i32
      %rem3A_353 = arith.remsi %add3A_323, %select_n3A_352 : i32
      %ne3A_354 = arith.constant 0 : i32
      %ne3A_355 = arith.cmpi ne, %rem3A_353, %ne3A_354 : i32
      %lt3A_356 = arith.constant 0 : i32
      %lt3A_357 = arith.cmpi slt, %rem3A_353, %lt3A_356 : i32
      %lt3A_358 = arith.constant 0 : i32
      %lt3A_359 = arith.cmpi slt, %select_n3A_352, %lt3A_358 : i32
      %ne3A_360 = arith.xori %lt3A_357, %lt3A_359 : i1
      %and3A_361 = arith.andi %ne3A_360, %ne3A_355 : i1
      %add3A_362 = arith.addi %rem3A_353, %select_n3A_352 : i32
      %select_n3A_363 = arith.select %and3A_361, %add3A_362, %rem3A_353 : i32
      %mul3A_364 = arith.constant 64 : i32
      %mul3A_365 = arith.muli %select_n3A_363, %mul3A_364 : i32
      %add3A_366 = arith.addi %mul3A_2, %mul3A_365 : i32
      %dma_wait3A_367 = arith.constant 0 : i32
      %dma_wait3A_368 = tpu.memref_slice %arg4[%select_n3A_347, %add3A_366, %dma_wait3A_367] : memref<50x4096x128xf32, #tpu.memory_space<hbm>> -> memref<1x64x128xf32, #tpu.memory_space<hbm>>
      %dma_wait3A_369 = tpu.memref_squeeze %dma_wait3A_368 : memref<1x64x128xf32, #tpu.memory_space<hbm>> -> memref<64x128xf32, #tpu.memory_space<hbm>>
      %dma_wait3A_370 = arith.constant 0 : i32
      %dma_wait3A_371 = tpu.memref_slice %arg4[%select_n3A_347, %add3A_366, %dma_wait3A_370] : memref<50x4096x128xf32, #tpu.memory_space<hbm>> -> memref<1x64x128xf32, #tpu.memory_space<hbm>>
      %dma_wait3A_372 = tpu.memref_squeeze %dma_wait3A_371 : memref<1x64x128xf32, #tpu.memory_space<hbm>> -> memref<64x128xf32, #tpu.memory_space<hbm>>
      tpu.wait_dma2 semaphore(%arg19 : memref<!tpu.dma_semaphore, #tpu.memory_space<semaphore_mem>>) src(%dma_wait3A_372 : memref<64x128xf32, #tpu.memory_space<hbm>>) dst(%arg10 : memref<64x128xf32, #tpu.memory_space<vmem>>)
      %mul3A_373 = arith.constant 64 : i32
      %mul3A_374 = arith.muli %select_n3A_363, %mul3A_373 : i32
      %dma_start3A_375 = tpu.memref_slice %arg8[%select_n3A_347, %mul3A_374] : memref<50x128xi32, #tpu.memory_space<vmem>> -> memref<1x64xi32, #tpu.memory_space<vmem>>
      %dma_start3A_376 = tpu.memref_squeeze %dma_start3A_375 : memref<1x64xi32, #tpu.memory_space<vmem>> -> memref<64xi32, #tpu.memory_space<vmem>>
      %dma_start3A_377 = arith.constant 0 : i32
      %dma_start3A_378 = arith.constant 0 : i32
      %dma_start3A_379 = tpu.memref_slice %arg5[%dma_start3A_377, %dma_start3A_378] : memref<100000x128xf32, #tpu.memory_space<hbm>> -> memref<100000x128xf32, #tpu.memory_space<hbm>>
      tpu.enqueue_indirect_dma source(%dma_start3A_379 : memref<100000x128xf32, #tpu.memory_space<hbm>>) target(%arg10 : memref<64x128xf32, #tpu.memory_space<vmem>>) offsets(%dma_start3A_376 : memref<64xi32, #tpu.memory_space<vmem>>) semaphore(%arg23 : memref<!tpu.dma_semaphore, #tpu.memory_space<semaphore_mem>>) {add = true}
      %mul3A_380 = arith.constant 4 : i32
      %mul3A_381 = arith.muli %mul3A_380, %scan3A_73 : i32
      %add3A_382 = arith.constant 1 : i32
      %add3A_383 = arith.addi %mul3A_381, %add3A_382 : i32
      %jit3A_384 = arith.constant 2 : i32
      %div3A_385 = arith.divsi %add3A_383, %jit3A_384 : i32
      %sign3A_386 = arith.constant 0 : i32
      %sign3A_387 = arith.cmpi sgt, %add3A_383, %sign3A_386 : i32
      %sign3A_388 = arith.extui %sign3A_387 : i1 to i32
      %sign3A_389 = arith.constant 0 : i32
      %sign3A_390 = arith.cmpi slt, %add3A_383, %sign3A_389 : i32
      %sign3A_391 = arith.extui %sign3A_390 : i1 to i32
      %sign3A_392 = arith.subi %sign3A_388, %sign3A_391 : i32
      %sign3A_393 = arith.constant 0 : i32
      %sign3A_394 = arith.cmpi sgt, %jit3A_384, %sign3A_393 : i32
      %sign3A_395 = arith.extui %sign3A_394 : i1 to i32
      %sign3A_396 = arith.constant 0 : i32
      %sign3A_397 = arith.cmpi slt, %jit3A_384, %sign3A_396 : i32
      %sign3A_398 = arith.extui %sign3A_397 : i1 to i32
      %sign3A_399 = arith.subi %sign3A_395, %sign3A_398 : i32
      %ne3A_400 = arith.cmpi ne, %sign3A_392, %sign3A_399 : i32
      %rem3A_401 = arith.remsi %add3A_383, %jit3A_384 : i32
      %ne3A_402 = arith.constant 0 : i32
      %ne3A_403 = arith.cmpi ne, %rem3A_401, %ne3A_402 : i32
      %and3A_404 = arith.andi %ne3A_400, %ne3A_403 : i1
      %sub3A_405 = arith.constant 1 : i32
      %sub3A_406 = arith.subi %div3A_385, %sub3A_405 : i32
      %select_n3A_407 = arith.select %and3A_404, %sub3A_406, %div3A_385 : i32
      %jit3A_408 = arith.constant 2 : i32
      %eq3A_409 = arith.constant 0 : i32
      %eq3A_410 = arith.cmpi eq, %jit3A_408, %eq3A_409 : i32
      %jit3A_411 = arith.constant 1 : i32
      %select_n3A_412 = arith.select %eq3A_410, %jit3A_411, %jit3A_408 : i32
      %rem3A_413 = arith.remsi %add3A_383, %select_n3A_412 : i32
      %ne3A_414 = arith.constant 0 : i32
      %ne3A_415 = arith.cmpi ne, %rem3A_413, %ne3A_414 : i32
      %lt3A_416 = arith.constant 0 : i32
      %lt3A_417 = arith.cmpi slt, %rem3A_413, %lt3A_416 : i32
      %lt3A_418 = arith.constant 0 : i32
      %lt3A_419 = arith.cmpi slt, %select_n3A_412, %lt3A_418 : i32
      %ne3A_420 = arith.xori %lt3A_417, %lt3A_419 : i1
      %and3A_421 = arith.andi %ne3A_420, %ne3A_415 : i1
      %add3A_422 = arith.addi %rem3A_413, %select_n3A_412 : i32
      %select_n3A_423 = arith.select %and3A_421, %add3A_422, %rem3A_413 : i32
      %mul3A_424 = arith.constant 64 : i32
      %mul3A_425 = arith.muli %select_n3A_423, %mul3A_424 : i32
      %add3A_426 = arith.addi %mul3A_2, %mul3A_425 : i32
      %dma_wait3A_427 = arith.constant 0 : i32
      %dma_wait3A_428 = tpu.memref_slice %arg4[%select_n3A_407, %add3A_426, %dma_wait3A_427] : memref<50x4096x128xf32, #tpu.memory_space<hbm>> -> memref<1x64x128xf32, #tpu.memory_space<hbm>>
      %dma_wait3A_429 = tpu.memref_squeeze %dma_wait3A_428 : memref<1x64x128xf32, #tpu.memory_space<hbm>> -> memref<64x128xf32, #tpu.memory_space<hbm>>
      %dma_wait3A_430 = arith.constant 0 : i32
      %dma_wait3A_431 = tpu.memref_slice %arg4[%select_n3A_407, %add3A_426, %dma_wait3A_430] : memref<50x4096x128xf32, #tpu.memory_space<hbm>> -> memref<1x64x128xf32, #tpu.memory_space<hbm>>
      %dma_wait3A_432 = tpu.memref_squeeze %dma_wait3A_431 : memref<1x64x128xf32, #tpu.memory_space<hbm>> -> memref<64x128xf32, #tpu.memory_space<hbm>>
      tpu.wait_dma2 semaphore(%arg20 : memref<!tpu.dma_semaphore, #tpu.memory_space<semaphore_mem>>) src(%dma_wait3A_432 : memref<64x128xf32, #tpu.memory_space<hbm>>) dst(%arg11 : memref<64x128xf32, #tpu.memory_space<vmem>>)
      %mul3A_433 = arith.constant 64 : i32
      %mul3A_434 = arith.muli %select_n3A_423, %mul3A_433 : i32
      %dma_start3A_435 = tpu.memref_slice %arg8[%select_n3A_407, %mul3A_434] : memref<50x128xi32, #tpu.memory_space<vmem>> -> memref<1x64xi32, #tpu.memory_space<vmem>>
      %dma_start3A_436 = tpu.memref_squeeze %dma_start3A_435 : memref<1x64xi32, #tpu.memory_space<vmem>> -> memref<64xi32, #tpu.memory_space<vmem>>
      %dma_start3A_437 = arith.constant 0 : i32
      %dma_start3A_438 = arith.constant 0 : i32
      %dma_start3A_439 = tpu.memref_slice %arg5[%dma_start3A_437, %dma_start3A_438] : memref<100000x128xf32, #tpu.memory_space<hbm>> -> memref<100000x128xf32, #tpu.memory_space<hbm>>
      tpu.enqueue_indirect_dma source(%dma_start3A_439 : memref<100000x128xf32, #tpu.memory_space<hbm>>) target(%arg11 : memref<64x128xf32, #tpu.memory_space<vmem>>) offsets(%dma_start3A_436 : memref<64xi32, #tpu.memory_space<vmem>>) semaphore(%arg24 : memref<!tpu.dma_semaphore, #tpu.memory_space<semaphore_mem>>) {add = true}
      %mul3A_440 = arith.constant 4 : i32
      %mul3A_441 = arith.muli %mul3A_440, %scan3A_73 : i32
      %add3A_442 = arith.constant 2 : i32
      %add3A_443 = arith.addi %mul3A_441, %add3A_442 : i32
      %jit3A_444 = arith.constant 2 : i32
      %div3A_445 = arith.divsi %add3A_443, %jit3A_444 : i32
      %sign3A_446 = arith.constant 0 : i32
      %sign3A_447 = arith.cmpi sgt, %add3A_443, %sign3A_446 : i32
      %sign3A_448 = arith.extui %sign3A_447 : i1 to i32
      %sign3A_449 = arith.constant 0 : i32
      %sign3A_450 = arith.cmpi slt, %add3A_443, %sign3A_449 : i32
      %sign3A_451 = arith.extui %sign3A_450 : i1 to i32
      %sign3A_452 = arith.subi %sign3A_448, %sign3A_451 : i32
      %sign3A_453 = arith.constant 0 : i32
      %sign3A_454 = arith.cmpi sgt, %jit3A_444, %sign3A_453 : i32
      %sign3A_455 = arith.extui %sign3A_454 : i1 to i32
      %sign3A_456 = arith.constant 0 : i32
      %sign3A_457 = arith.cmpi slt, %jit3A_444, %sign3A_456 : i32
      %sign3A_458 = arith.extui %sign3A_457 : i1 to i32
      %sign3A_459 = arith.subi %sign3A_455, %sign3A_458 : i32
      %ne3A_460 = arith.cmpi ne, %sign3A_452, %sign3A_459 : i32
      %rem3A_461 = arith.remsi %add3A_443, %jit3A_444 : i32
      %ne3A_462 = arith.constant 0 : i32
      %ne3A_463 = arith.cmpi ne, %rem3A_461, %ne3A_462 : i32
      %and3A_464 = arith.andi %ne3A_460, %ne3A_463 : i1
      %sub3A_465 = arith.constant 1 : i32
      %sub3A_466 = arith.subi %div3A_445, %sub3A_465 : i32
      %select_n3A_467 = arith.select %and3A_464, %sub3A_466, %div3A_445 : i32
      %jit3A_468 = arith.constant 2 : i32
      %eq3A_469 = arith.constant 0 : i32
      %eq3A_470 = arith.cmpi eq, %jit3A_468, %eq3A_469 : i32
      %jit3A_471 = arith.constant 1 : i32
      %select_n3A_472 = arith.select %eq3A_470, %jit3A_471, %jit3A_468 : i32
      %rem3A_473 = arith.remsi %add3A_443, %select_n3A_472 : i32
      %ne3A_474 = arith.constant 0 : i32
      %ne3A_475 = arith.cmpi ne, %rem3A_473, %ne3A_474 : i32
      %lt3A_476 = arith.constant 0 : i32
      %lt3A_477 = arith.cmpi slt, %rem3A_473, %lt3A_476 : i32
      %lt3A_478 = arith.constant 0 : i32
      %lt3A_479 = arith.cmpi slt, %select_n3A_472, %lt3A_478 : i32
      %ne3A_480 = arith.xori %lt3A_477, %lt3A_479 : i1
      %and3A_481 = arith.andi %ne3A_480, %ne3A_475 : i1
      %add3A_482 = arith.addi %rem3A_473, %select_n3A_472 : i32
      %select_n3A_483 = arith.select %and3A_481, %add3A_482, %rem3A_473 : i32
      %mul3A_484 = arith.constant 64 : i32
      %mul3A_485 = arith.muli %select_n3A_483, %mul3A_484 : i32
      %add3A_486 = arith.addi %mul3A_2, %mul3A_485 : i32
      %dma_wait3A_487 = arith.constant 0 : i32
      %dma_wait3A_488 = tpu.memref_slice %arg4[%select_n3A_467, %add3A_486, %dma_wait3A_487] : memref<50x4096x128xf32, #tpu.memory_space<hbm>> -> memref<1x64x128xf32, #tpu.memory_space<hbm>>
      %dma_wait3A_489 = tpu.memref_squeeze %dma_wait3A_488 : memref<1x64x128xf32, #tpu.memory_space<hbm>> -> memref<64x128xf32, #tpu.memory_space<hbm>>
      %dma_wait3A_490 = arith.constant 0 : i32
      %dma_wait3A_491 = tpu.memref_slice %arg4[%select_n3A_467, %add3A_486, %dma_wait3A_490] : memref<50x4096x128xf32, #tpu.memory_space<hbm>> -> memref<1x64x128xf32, #tpu.memory_space<hbm>>
      %dma_wait3A_492 = tpu.memref_squeeze %dma_wait3A_491 : memref<1x64x128xf32, #tpu.memory_space<hbm>> -> memref<64x128xf32, #tpu.memory_space<hbm>>
      tpu.wait_dma2 semaphore(%arg21 : memref<!tpu.dma_semaphore, #tpu.memory_space<semaphore_mem>>) src(%dma_wait3A_492 : memref<64x128xf32, #tpu.memory_space<hbm>>) dst(%arg12 : memref<64x128xf32, #tpu.memory_space<vmem>>)
      %mul3A_493 = arith.constant 64 : i32
      %mul3A_494 = arith.muli %select_n3A_483, %mul3A_493 : i32
      %dma_start3A_495 = tpu.memref_slice %arg8[%select_n3A_467, %mul3A_494] : memref<50x128xi32, #tpu.memory_space<vmem>> -> memref<1x64xi32, #tpu.memory_space<vmem>>
      %dma_start3A_496 = tpu.memref_squeeze %dma_start3A_495 : memref<1x64xi32, #tpu.memory_space<vmem>> -> memref<64xi32, #tpu.memory_space<vmem>>
      %dma_start3A_497 = arith.constant 0 : i32
      %dma_start3A_498 = arith.constant 0 : i32
      %dma_start3A_499 = tpu.memref_slice %arg5[%dma_start3A_497, %dma_start3A_498] : memref<100000x128xf32, #tpu.memory_space<hbm>> -> memref<100000x128xf32, #tpu.memory_space<hbm>>
      tpu.enqueue_indirect_dma source(%dma_start3A_499 : memref<100000x128xf32, #tpu.memory_space<hbm>>) target(%arg12 : memref<64x128xf32, #tpu.memory_space<vmem>>) offsets(%dma_start3A_496 : memref<64xi32, #tpu.memory_space<vmem>>) semaphore(%arg25 : memref<!tpu.dma_semaphore, #tpu.memory_space<semaphore_mem>>) {add = true}
      %mul3A_500 = arith.constant 4 : i32
      %mul3A_501 = arith.muli %mul3A_500, %scan3A_73 : i32
      %add3A_502 = arith.constant 3 : i32
      %add3A_503 = arith.addi %mul3A_501, %add3A_502 : i32
      %jit3A_504 = arith.constant 2 : i32
      %div3A_505 = arith.divsi %add3A_503, %jit3A_504 : i32
      %sign3A_506 = arith.constant 0 : i32
      %sign3A_507 = arith.cmpi sgt, %add3A_503, %sign3A_506 : i32
      %sign3A_508 = arith.extui %sign3A_507 : i1 to i32
      %sign3A_509 = arith.constant 0 : i32
      %sign3A_510 = arith.cmpi slt, %add3A_503, %sign3A_509 : i32
      %sign3A_511 = arith.extui %sign3A_510 : i1 to i32
      %sign3A_512 = arith.subi %sign3A_508, %sign3A_511 : i32
      %sign3A_513 = arith.constant 0 : i32
      %sign3A_514 = arith.cmpi sgt, %jit3A_504, %sign3A_513 : i32
      %sign3A_515 = arith.extui %sign3A_514 : i1 to i32
      %sign3A_516 = arith.constant 0 : i32
      %sign3A_517 = arith.cmpi slt, %jit3A_504, %sign3A_516 : i32
      %sign3A_518 = arith.extui %sign3A_517 : i1 to i32
      %sign3A_519 = arith.subi %sign3A_515, %sign3A_518 : i32
      %ne3A_520 = arith.cmpi ne, %sign3A_512, %sign3A_519 : i32
      %rem3A_521 = arith.remsi %add3A_503, %jit3A_504 : i32
      %ne3A_522 = arith.constant 0 : i32
      %ne3A_523 = arith.cmpi ne, %rem3A_521, %ne3A_522 : i32
      %and3A_524 = arith.andi %ne3A_520, %ne3A_523 : i1
      %sub3A_525 = arith.constant 1 : i32
      %sub3A_526 = arith.subi %div3A_505, %sub3A_525 : i32
      %select_n3A_527 = arith.select %and3A_524, %sub3A_526, %div3A_505 : i32
      %jit3A_528 = arith.constant 2 : i32
      %eq3A_529 = arith.constant 0 : i32
      %eq3A_530 = arith.cmpi eq, %jit3A_528, %eq3A_529 : i32
      %jit3A_531 = arith.constant 1 : i32
      %select_n3A_532 = arith.select %eq3A_530, %jit3A_531, %jit3A_528 : i32
      %rem3A_533 = arith.remsi %add3A_503, %select_n3A_532 : i32
      %ne3A_534 = arith.constant 0 : i32
      %ne3A_535 = arith.cmpi ne, %rem3A_533, %ne3A_534 : i32
      %lt3A_536 = arith.constant 0 : i32
      %lt3A_537 = arith.cmpi slt, %rem3A_533, %lt3A_536 : i32
      %lt3A_538 = arith.constant 0 : i32
      %lt3A_539 = arith.cmpi slt, %select_n3A_532, %lt3A_538 : i32
      %ne3A_540 = arith.xori %lt3A_537, %lt3A_539 : i1
      %and3A_541 = arith.andi %ne3A_540, %ne3A_535 : i1
      %add3A_542 = arith.addi %rem3A_533, %select_n3A_532 : i32
      %select_n3A_543 = arith.select %and3A_541, %add3A_542, %rem3A_533 : i32
      %mul3A_544 = arith.constant 64 : i32
      %mul3A_545 = arith.muli %select_n3A_543, %mul3A_544 : i32
      %add3A_546 = arith.addi %mul3A_2, %mul3A_545 : i32
      %dma_wait3A_547 = arith.constant 0 : i32
      %dma_wait3A_548 = tpu.memref_slice %arg4[%select_n3A_527, %add3A_546, %dma_wait3A_547] : memref<50x4096x128xf32, #tpu.memory_space<hbm>> -> memref<1x64x128xf32, #tpu.memory_space<hbm>>
      %dma_wait3A_549 = tpu.memref_squeeze %dma_wait3A_548 : memref<1x64x128xf32, #tpu.memory_space<hbm>> -> memref<64x128xf32, #tpu.memory_space<hbm>>
      %dma_wait3A_550 = arith.constant 0 : i32
      %dma_wait3A_551 = tpu.memref_slice %arg4[%select_n3A_527, %add3A_546, %dma_wait3A_550] : memref<50x4096x128xf32, #tpu.memory_space<hbm>> -> memref<1x64x128xf32, #tpu.memory_space<hbm>>
      %dma_wait3A_552 = tpu.memref_squeeze %dma_wait3A_551 : memref<1x64x128xf32, #tpu.memory_space<hbm>> -> memref<64x128xf32, #tpu.memory_space<hbm>>
      tpu.wait_dma2 semaphore(%arg22 : memref<!tpu.dma_semaphore, #tpu.memory_space<semaphore_mem>>) src(%dma_wait3A_552 : memref<64x128xf32, #tpu.memory_space<hbm>>) dst(%arg13 : memref<64x128xf32, #tpu.memory_space<vmem>>)
      %mul3A_553 = arith.constant 64 : i32
      %mul3A_554 = arith.muli %select_n3A_543, %mul3A_553 : i32
      %dma_start3A_555 = tpu.memref_slice %arg8[%select_n3A_527, %mul3A_554] : memref<50x128xi32, #tpu.memory_space<vmem>> -> memref<1x64xi32, #tpu.memory_space<vmem>>
      %dma_start3A_556 = tpu.memref_squeeze %dma_start3A_555 : memref<1x64xi32, #tpu.memory_space<vmem>> -> memref<64xi32, #tpu.memory_space<vmem>>
      %dma_start3A_557 = arith.constant 0 : i32
      %dma_start3A_558 = arith.constant 0 : i32
      %dma_start3A_559 = tpu.memref_slice %arg5[%dma_start3A_557, %dma_start3A_558] : memref<100000x128xf32, #tpu.memory_space<hbm>> -> memref<100000x128xf32, #tpu.memory_space<hbm>>
      tpu.enqueue_indirect_dma source(%dma_start3A_559 : memref<100000x128xf32, #tpu.memory_space<hbm>>) target(%arg13 : memref<64x128xf32, #tpu.memory_space<vmem>>) offsets(%dma_start3A_556 : memref<64xi32, #tpu.memory_space<vmem>>) semaphore(%arg26 : memref<!tpu.dma_semaphore, #tpu.memory_space<semaphore_mem>>) {add = true}
      %mul3A_560 = arith.constant 4 : i32
      %mul3A_561 = arith.muli %mul3A_560, %scan3A_73 : i32
      %add3A_562 = arith.constant 0 : i32
      %add3A_563 = arith.addi %mul3A_561, %add3A_562 : i32
      %jit3A_564 = arith.constant 2 : i32
      %div3A_565 = arith.divsi %add3A_563, %jit3A_564 : i32
      %sign3A_566 = arith.constant 0 : i32
      %sign3A_567 = arith.cmpi sgt, %add3A_563, %sign3A_566 : i32
      %sign3A_568 = arith.extui %sign3A_567 : i1 to i32
      %sign3A_569 = arith.constant 0 : i32
      %sign3A_570 = arith.cmpi slt, %add3A_563, %sign3A_569 : i32
      %sign3A_571 = arith.extui %sign3A_570 : i1 to i32
      %sign3A_572 = arith.subi %sign3A_568, %sign3A_571 : i32
      %sign3A_573 = arith.constant 0 : i32
      %sign3A_574 = arith.cmpi sgt, %jit3A_564, %sign3A_573 : i32
      %sign3A_575 = arith.extui %sign3A_574 : i1 to i32
      %sign3A_576 = arith.constant 0 : i32
      %sign3A_577 = arith.cmpi slt, %jit3A_564, %sign3A_576 : i32
      %sign3A_578 = arith.extui %sign3A_577 : i1 to i32
      %sign3A_579 = arith.subi %sign3A_575, %sign3A_578 : i32
      %ne3A_580 = arith.cmpi ne, %sign3A_572, %sign3A_579 : i32
      %rem3A_581 = arith.remsi %add3A_563, %jit3A_564 : i32
      %ne3A_582 = arith.constant 0 : i32
      %ne3A_583 = arith.cmpi ne, %rem3A_581, %ne3A_582 : i32
      %and3A_584 = arith.andi %ne3A_580, %ne3A_583 : i1
      %sub3A_585 = arith.constant 1 : i32
      %sub3A_586 = arith.subi %div3A_565, %sub3A_585 : i32
      %select_n3A_587 = arith.select %and3A_584, %sub3A_586, %div3A_565 : i32
      %jit3A_588 = arith.constant 2 : i32
      %eq3A_589 = arith.constant 0 : i32
      %eq3A_590 = arith.cmpi eq, %jit3A_588, %eq3A_589 : i32
      %jit3A_591 = arith.constant 1 : i32
      %select_n3A_592 = arith.select %eq3A_590, %jit3A_591, %jit3A_588 : i32
      %rem3A_593 = arith.remsi %add3A_563, %select_n3A_592 : i32
      %ne3A_594 = arith.constant 0 : i32
      %ne3A_595 = arith.cmpi ne, %rem3A_593, %ne3A_594 : i32
      %lt3A_596 = arith.constant 0 : i32
      %lt3A_597 = arith.cmpi slt, %rem3A_593, %lt3A_596 : i32
      %lt3A_598 = arith.constant 0 : i32
      %lt3A_599 = arith.cmpi slt, %select_n3A_592, %lt3A_598 : i32
      %ne3A_600 = arith.xori %lt3A_597, %lt3A_599 : i1
      %and3A_601 = arith.andi %ne3A_600, %ne3A_595 : i1
      %add3A_602 = arith.addi %rem3A_593, %select_n3A_592 : i32
      %select_n3A_603 = arith.select %and3A_601, %add3A_602, %rem3A_593 : i32
      %mul3A_604 = arith.constant 64 : i32
      %mul3A_605 = arith.muli %select_n3A_603, %mul3A_604 : i32
      %add3A_606 = arith.addi %mul3A_2, %mul3A_605 : i32
      %mul3A_607 = arith.constant 64 : i32
      %mul3A_608 = arith.muli %select_n3A_603, %mul3A_607 : i32
      %dma_wait3A_609 = tpu.memref_slice %arg9[%select_n3A_587, %mul3A_608] : memref<50x128xi32, #tpu.memory_space<vmem>> -> memref<1x64xi32, #tpu.memory_space<vmem>>
      %dma_wait3A_610 = tpu.memref_squeeze %dma_wait3A_609 : memref<1x64xi32, #tpu.memory_space<vmem>> -> memref<64xi32, #tpu.memory_space<vmem>>
      %dma_wait3A_611 = arith.constant 0 : i32
      %dma_wait3A_612 = arith.constant 0 : i32
      %dma_wait3A_613 = tpu.memref_slice %arg18[%dma_wait3A_611, %dma_wait3A_612] : memref<6000x128xf32, #tpu.memory_space<vmem_shared>> -> memref<6000x128xf32, #tpu.memory_space<vmem_shared>>
      tpu.wait_indirect_dma semaphore(%arg27 : memref<!tpu.dma_semaphore, #tpu.memory_space<semaphore_mem>>) src(%dma_wait3A_613 : memref<6000x128xf32, #tpu.memory_space<vmem_shared>>) dst(%arg14 : memref<64x128xf32, #tpu.memory_space<vmem>>)
      %dma_start3A_614 = arith.constant 128 : i32
      %dma_start3A_615 = tpu.memref_slice %arg7[%select_n3A_587, %add3A_606, %dma_start3A_614] : memref<50x4096x256xf32, #tpu.memory_space<hbm>> -> memref<1x64x128xf32, #tpu.memory_space<hbm>>
      %dma_start3A_616 = tpu.memref_squeeze %dma_start3A_615 : memref<1x64x128xf32, #tpu.memory_space<hbm>> -> memref<64x128xf32, #tpu.memory_space<hbm>>
      %dma_start3A_617 = arith.constant 128 : i32
      %dma_start3A_618 = tpu.memref_slice %arg7[%select_n3A_587, %add3A_606, %dma_start3A_617] : memref<50x4096x256xf32, #tpu.memory_space<hbm>> -> memref<1x64x128xf32, #tpu.memory_space<hbm>>
      %dma_start3A_619 = tpu.memref_squeeze %dma_start3A_618 : memref<1x64x128xf32, #tpu.memory_space<hbm>> -> memref<64x128xf32, #tpu.memory_space<hbm>>
      tpu.enqueue_dma source(%arg14 : memref<64x128xf32, #tpu.memory_space<vmem>>) target(%dma_start3A_619 : memref<64x128xf32, #tpu.memory_space<hbm>>) target_semaphore(%arg31 : memref<!tpu.dma_semaphore, #tpu.memory_space<semaphore_mem>>)
      %mul3A_620 = arith.constant 64 : i32
      %mul3A_621 = arith.muli %select_n3A_603, %mul3A_620 : i32
      %dma_wait3A_622 = tpu.memref_slice %arg8[%select_n3A_587, %mul3A_621] : memref<50x128xi32, #tpu.memory_space<vmem>> -> memref<1x64xi32, #tpu.memory_space<vmem>>
      %dma_wait3A_623 = tpu.memref_squeeze %dma_wait3A_622 : memref<1x64xi32, #tpu.memory_space<vmem>> -> memref<64xi32, #tpu.memory_space<vmem>>
      %dma_wait3A_624 = arith.constant 0 : i32
      %dma_wait3A_625 = arith.constant 0 : i32
      %dma_wait3A_626 = tpu.memref_slice %arg5[%dma_wait3A_624, %dma_wait3A_625] : memref<100000x128xf32, #tpu.memory_space<hbm>> -> memref<100000x128xf32, #tpu.memory_space<hbm>>
      tpu.wait_indirect_dma semaphore(%arg23 : memref<!tpu.dma_semaphore, #tpu.memory_space<semaphore_mem>>) src(%dma_wait3A_626 : memref<100000x128xf32, #tpu.memory_space<hbm>>) dst(%arg10 : memref<64x128xf32, #tpu.memory_space<vmem>>)
      %dma_start3A_627 = arith.constant 0 : i32
      %dma_start3A_628 = tpu.memref_slice %arg7[%select_n3A_587, %add3A_606, %dma_start3A_627] : memref<50x4096x256xf32, #tpu.memory_space<hbm>> -> memref<1x64x128xf32, #tpu.memory_space<hbm>>
      %dma_start3A_629 = tpu.memref_squeeze %dma_start3A_628 : memref<1x64x128xf32, #tpu.memory_space<hbm>> -> memref<64x128xf32, #tpu.memory_space<hbm>>
      %dma_start3A_630 = arith.constant 0 : i32
      %dma_start3A_631 = tpu.memref_slice %arg7[%select_n3A_587, %add3A_606, %dma_start3A_630] : memref<50x4096x256xf32, #tpu.memory_space<hbm>> -> memref<1x64x128xf32, #tpu.memory_space<hbm>>
      %dma_start3A_632 = tpu.memref_squeeze %dma_start3A_631 : memref<1x64x128xf32, #tpu.memory_space<hbm>> -> memref<64x128xf32, #tpu.memory_space<hbm>>
      tpu.enqueue_dma source(%arg10 : memref<64x128xf32, #tpu.memory_space<vmem>>) target(%dma_start3A_632 : memref<64x128xf32, #tpu.memory_space<hbm>>) target_semaphore(%arg31 : memref<!tpu.dma_semaphore, #tpu.memory_space<semaphore_mem>>)
      %mul3A_633 = arith.constant 4 : i32
      %mul3A_634 = arith.muli %mul3A_633, %scan3A_73 : i32
      %add3A_635 = arith.constant 1 : i32
      %add3A_636 = arith.addi %mul3A_634, %add3A_635 : i32
      %jit3A_637 = arith.constant 2 : i32
      %div3A_638 = arith.divsi %add3A_636, %jit3A_637 : i32
      %sign3A_639 = arith.constant 0 : i32
      %sign3A_640 = arith.cmpi sgt, %add3A_636, %sign3A_639 : i32
      %sign3A_641 = arith.extui %sign3A_640 : i1 to i32
      %sign3A_642 = arith.constant 0 : i32
      %sign3A_643 = arith.cmpi slt, %add3A_636, %sign3A_642 : i32
      %sign3A_644 = arith.extui %sign3A_643 : i1 to i32
      %sign3A_645 = arith.subi %sign3A_641, %sign3A_644 : i32
      %sign3A_646 = arith.constant 0 : i32
      %sign3A_647 = arith.cmpi sgt, %jit3A_637, %sign3A_646 : i32
      %sign3A_648 = arith.extui %sign3A_647 : i1 to i32
      %sign3A_649 = arith.constant 0 : i32
      %sign3A_650 = arith.cmpi slt, %jit3A_637, %sign3A_649 : i32
      %sign3A_651 = arith.extui %sign3A_650 : i1 to i32
      %sign3A_652 = arith.subi %sign3A_648, %sign3A_651 : i32
      %ne3A_653 = arith.cmpi ne, %sign3A_645, %sign3A_652 : i32
      %rem3A_654 = arith.remsi %add3A_636, %jit3A_637 : i32
      %ne3A_655 = arith.constant 0 : i32
      %ne3A_656 = arith.cmpi ne, %rem3A_654, %ne3A_655 : i32
      %and3A_657 = arith.andi %ne3A_653, %ne3A_656 : i1
      %sub3A_658 = arith.constant 1 : i32
      %sub3A_659 = arith.subi %div3A_638, %sub3A_658 : i32
      %select_n3A_660 = arith.select %and3A_657, %sub3A_659, %div3A_638 : i32
      %jit3A_661 = arith.constant 2 : i32
      %eq3A_662 = arith.constant 0 : i32
      %eq3A_663 = arith.cmpi eq, %jit3A_661, %eq3A_662 : i32
      %jit3A_664 = arith.constant 1 : i32
      %select_n3A_665 = arith.select %eq3A_663, %jit3A_664, %jit3A_661 : i32
      %rem3A_666 = arith.remsi %add3A_636, %select_n3A_665 : i32
      %ne3A_667 = arith.constant 0 : i32
      %ne3A_668 = arith.cmpi ne, %rem3A_666, %ne3A_667 : i32
      %lt3A_669 = arith.constant 0 : i32
      %lt3A_670 = arith.cmpi slt, %rem3A_666, %lt3A_669 : i32
      %lt3A_671 = arith.constant 0 : i32
      %lt3A_672 = arith.cmpi slt, %select_n3A_665, %lt3A_671 : i32
      %ne3A_673 = arith.xori %lt3A_670, %lt3A_672 : i1
      %and3A_674 = arith.andi %ne3A_673, %ne3A_668 : i1
      %add3A_675 = arith.addi %rem3A_666, %select_n3A_665 : i32
      %select_n3A_676 = arith.select %and3A_674, %add3A_675, %rem3A_666 : i32
      %mul3A_677 = arith.constant 64 : i32
      %mul3A_678 = arith.muli %select_n3A_676, %mul3A_677 : i32
      %add3A_679 = arith.addi %mul3A_2, %mul3A_678 : i32
      %mul3A_680 = arith.constant 64 : i32
      %mul3A_681 = arith.muli %select_n3A_676, %mul3A_680 : i32
      %dma_wait3A_682 = tpu.memref_slice %arg9[%select_n3A_660, %mul3A_681] : memref<50x128xi32, #tpu.memory_space<vmem>> -> memref<1x64xi32, #tpu.memory_space<vmem>>
      %dma_wait3A_683 = tpu.memref_squeeze %dma_wait3A_682 : memref<1x64xi32, #tpu.memory_space<vmem>> -> memref<64xi32, #tpu.memory_space<vmem>>
      %dma_wait3A_684 = arith.constant 0 : i32
      %dma_wait3A_685 = arith.constant 0 : i32
      %dma_wait3A_686 = tpu.memref_slice %arg18[%dma_wait3A_684, %dma_wait3A_685] : memref<6000x128xf32, #tpu.memory_space<vmem_shared>> -> memref<6000x128xf32, #tpu.memory_space<vmem_shared>>
      tpu.wait_indirect_dma semaphore(%arg28 : memref<!tpu.dma_semaphore, #tpu.memory_space<semaphore_mem>>) src(%dma_wait3A_686 : memref<6000x128xf32, #tpu.memory_space<vmem_shared>>) dst(%arg15 : memref<64x128xf32, #tpu.memory_space<vmem>>)
      %dma_start3A_687 = arith.constant 128 : i32
      %dma_start3A_688 = tpu.memref_slice %arg7[%select_n3A_660, %add3A_679, %dma_start3A_687] : memref<50x4096x256xf32, #tpu.memory_space<hbm>> -> memref<1x64x128xf32, #tpu.memory_space<hbm>>
      %dma_start3A_689 = tpu.memref_squeeze %dma_start3A_688 : memref<1x64x128xf32, #tpu.memory_space<hbm>> -> memref<64x128xf32, #tpu.memory_space<hbm>>
      %dma_start3A_690 = arith.constant 128 : i32
      %dma_start3A_691 = tpu.memref_slice %arg7[%select_n3A_660, %add3A_679, %dma_start3A_690] : memref<50x4096x256xf32, #tpu.memory_space<hbm>> -> memref<1x64x128xf32, #tpu.memory_space<hbm>>
      %dma_start3A_692 = tpu.memref_squeeze %dma_start3A_691 : memref<1x64x128xf32, #tpu.memory_space<hbm>> -> memref<64x128xf32, #tpu.memory_space<hbm>>
      tpu.enqueue_dma source(%arg15 : memref<64x128xf32, #tpu.memory_space<vmem>>) target(%dma_start3A_692 : memref<64x128xf32, #tpu.memory_space<hbm>>) target_semaphore(%arg32 : memref<!tpu.dma_semaphore, #tpu.memory_space<semaphore_mem>>)
      %mul3A_693 = arith.constant 64 : i32
      %mul3A_694 = arith.muli %select_n3A_676, %mul3A_693 : i32
      %dma_wait3A_695 = tpu.memref_slice %arg8[%select_n3A_660, %mul3A_694] : memref<50x128xi32, #tpu.memory_space<vmem>> -> memref<1x64xi32, #tpu.memory_space<vmem>>
      %dma_wait3A_696 = tpu.memref_squeeze %dma_wait3A_695 : memref<1x64xi32, #tpu.memory_space<vmem>> -> memref<64xi32, #tpu.memory_space<vmem>>
      %dma_wait3A_697 = arith.constant 0 : i32
      %dma_wait3A_698 = arith.constant 0 : i32
      %dma_wait3A_699 = tpu.memref_slice %arg5[%dma_wait3A_697, %dma_wait3A_698] : memref<100000x128xf32, #tpu.memory_space<hbm>> -> memref<100000x128xf32, #tpu.memory_space<hbm>>
      tpu.wait_indirect_dma semaphore(%arg24 : memref<!tpu.dma_semaphore, #tpu.memory_space<semaphore_mem>>) src(%dma_wait3A_699 : memref<100000x128xf32, #tpu.memory_space<hbm>>) dst(%arg11 : memref<64x128xf32, #tpu.memory_space<vmem>>)
      %dma_start3A_700 = arith.constant 0 : i32
      %dma_start3A_701 = tpu.memref_slice %arg7[%select_n3A_660, %add3A_679, %dma_start3A_700] : memref<50x4096x256xf32, #tpu.memory_space<hbm>> -> memref<1x64x128xf32, #tpu.memory_space<hbm>>
      %dma_start3A_702 = tpu.memref_squeeze %dma_start3A_701 : memref<1x64x128xf32, #tpu.memory_space<hbm>> -> memref<64x128xf32, #tpu.memory_space<hbm>>
      %dma_start3A_703 = arith.constant 0 : i32
      %dma_start3A_704 = tpu.memref_slice %arg7[%select_n3A_660, %add3A_679, %dma_start3A_703] : memref<50x4096x256xf32, #tpu.memory_space<hbm>> -> memref<1x64x128xf32, #tpu.memory_space<hbm>>
      %dma_start3A_705 = tpu.memref_squeeze %dma_start3A_704 : memref<1x64x128xf32, #tpu.memory_space<hbm>> -> memref<64x128xf32, #tpu.memory_space<hbm>>
      tpu.enqueue_dma source(%arg11 : memref<64x128xf32, #tpu.memory_space<vmem>>) target(%dma_start3A_705 : memref<64x128xf32, #tpu.memory_space<hbm>>) target_semaphore(%arg32 : memref<!tpu.dma_semaphore, #tpu.memory_space<semaphore_mem>>)
      %mul3A_706 = arith.constant 4 : i32
      %mul3A_707 = arith.muli %mul3A_706, %scan3A_73 : i32
      %add3A_708 = arith.constant 2 : i32
      %add3A_709 = arith.addi %mul3A_707, %add3A_708 : i32
      %jit3A_710 = arith.constant 2 : i32
      %div3A_711 = arith.divsi %add3A_709, %jit3A_710 : i32
      %sign3A_712 = arith.constant 0 : i32
      %sign3A_713 = arith.cmpi sgt, %add3A_709, %sign3A_712 : i32
      %sign3A_714 = arith.extui %sign3A_713 : i1 to i32
      %sign3A_715 = arith.constant 0 : i32
      %sign3A_716 = arith.cmpi slt, %add3A_709, %sign3A_715 : i32
      %sign3A_717 = arith.extui %sign3A_716 : i1 to i32
      %sign3A_718 = arith.subi %sign3A_714, %sign3A_717 : i32
      %sign3A_719 = arith.constant 0 : i32
      %sign3A_720 = arith.cmpi sgt, %jit3A_710, %sign3A_719 : i32
      %sign3A_721 = arith.extui %sign3A_720 : i1 to i32
      %sign3A_722 = arith.constant 0 : i32
      %sign3A_723 = arith.cmpi slt, %jit3A_710, %sign3A_722 : i32
      %sign3A_724 = arith.extui %sign3A_723 : i1 to i32
      %sign3A_725 = arith.subi %sign3A_721, %sign3A_724 : i32
      %ne3A_726 = arith.cmpi ne, %sign3A_718, %sign3A_725 : i32
      %rem3A_727 = arith.remsi %add3A_709, %jit3A_710 : i32
      %ne3A_728 = arith.constant 0 : i32
      %ne3A_729 = arith.cmpi ne, %rem3A_727, %ne3A_728 : i32
      %and3A_730 = arith.andi %ne3A_726, %ne3A_729 : i1
      %sub3A_731 = arith.constant 1 : i32
      %sub3A_732 = arith.subi %div3A_711, %sub3A_731 : i32
      %select_n3A_733 = arith.select %and3A_730, %sub3A_732, %div3A_711 : i32
      %jit3A_734 = arith.constant 2 : i32
      %eq3A_735 = arith.constant 0 : i32
      %eq3A_736 = arith.cmpi eq, %jit3A_734, %eq3A_735 : i32
      %jit3A_737 = arith.constant 1 : i32
      %select_n3A_738 = arith.select %eq3A_736, %jit3A_737, %jit3A_734 : i32
      %rem3A_739 = arith.remsi %add3A_709, %select_n3A_738 : i32
      %ne3A_740 = arith.constant 0 : i32
      %ne3A_741 = arith.cmpi ne, %rem3A_739, %ne3A_740 : i32
      %lt3A_742 = arith.constant 0 : i32
      %lt3A_743 = arith.cmpi slt, %rem3A_739, %lt3A_742 : i32
      %lt3A_744 = arith.constant 0 : i32
      %lt3A_745 = arith.cmpi slt, %select_n3A_738, %lt3A_744 : i32
      %ne3A_746 = arith.xori %lt3A_743, %lt3A_745 : i1
      %and3A_747 = arith.andi %ne3A_746, %ne3A_741 : i1
      %add3A_748 = arith.addi %rem3A_739, %select_n3A_738 : i32
      %select_n3A_749 = arith.select %and3A_747, %add3A_748, %rem3A_739 : i32
      %mul3A_750 = arith.constant 64 : i32
      %mul3A_751 = arith.muli %select_n3A_749, %mul3A_750 : i32
      %add3A_752 = arith.addi %mul3A_2, %mul3A_751 : i32
      %mul3A_753 = arith.constant 64 : i32
      %mul3A_754 = arith.muli %select_n3A_749, %mul3A_753 : i32
      %dma_wait3A_755 = tpu.memref_slice %arg9[%select_n3A_733, %mul3A_754] : memref<50x128xi32, #tpu.memory_space<vmem>> -> memref<1x64xi32, #tpu.memory_space<vmem>>
      %dma_wait3A_756 = tpu.memref_squeeze %dma_wait3A_755 : memref<1x64xi32, #tpu.memory_space<vmem>> -> memref<64xi32, #tpu.memory_space<vmem>>
      %dma_wait3A_757 = arith.constant 0 : i32
      %dma_wait3A_758 = arith.constant 0 : i32
      %dma_wait3A_759 = tpu.memref_slice %arg18[%dma_wait3A_757, %dma_wait3A_758] : memref<6000x128xf32, #tpu.memory_space<vmem_shared>> -> memref<6000x128xf32, #tpu.memory_space<vmem_shared>>
      tpu.wait_indirect_dma semaphore(%arg29 : memref<!tpu.dma_semaphore, #tpu.memory_space<semaphore_mem>>) src(%dma_wait3A_759 : memref<6000x128xf32, #tpu.memory_space<vmem_shared>>) dst(%arg16 : memref<64x128xf32, #tpu.memory_space<vmem>>)
      %dma_start3A_760 = arith.constant 128 : i32
      %dma_start3A_761 = tpu.memref_slice %arg7[%select_n3A_733, %add3A_752, %dma_start3A_760] : memref<50x4096x256xf32, #tpu.memory_space<hbm>> -> memref<1x64x128xf32, #tpu.memory_space<hbm>>
      %dma_start3A_762 = tpu.memref_squeeze %dma_start3A_761 : memref<1x64x128xf32, #tpu.memory_space<hbm>> -> memref<64x128xf32, #tpu.memory_space<hbm>>
      %dma_start3A_763 = arith.constant 128 : i32
      %dma_start3A_764 = tpu.memref_slice %arg7[%select_n3A_733, %add3A_752, %dma_start3A_763] : memref<50x4096x256xf32, #tpu.memory_space<hbm>> -> memref<1x64x128xf32, #tpu.memory_space<hbm>>
      %dma_start3A_765 = tpu.memref_squeeze %dma_start3A_764 : memref<1x64x128xf32, #tpu.memory_space<hbm>> -> memref<64x128xf32, #tpu.memory_space<hbm>>
      tpu.enqueue_dma source(%arg16 : memref<64x128xf32, #tpu.memory_space<vmem>>) target(%dma_start3A_765 : memref<64x128xf32, #tpu.memory_space<hbm>>) target_semaphore(%arg33 : memref<!tpu.dma_semaphore, #tpu.memory_space<semaphore_mem>>)
      %mul3A_766 = arith.constant 64 : i32
      %mul3A_767 = arith.muli %select_n3A_749, %mul3A_766 : i32
      %dma_wait3A_768 = tpu.memref_slice %arg8[%select_n3A_733, %mul3A_767] : memref<50x128xi32, #tpu.memory_space<vmem>> -> memref<1x64xi32, #tpu.memory_space<vmem>>
      %dma_wait3A_769 = tpu.memref_squeeze %dma_wait3A_768 : memref<1x64xi32, #tpu.memory_space<vmem>> -> memref<64xi32, #tpu.memory_space<vmem>>
      %dma_wait3A_770 = arith.constant 0 : i32
      %dma_wait3A_771 = arith.constant 0 : i32
      %dma_wait3A_772 = tpu.memref_slice %arg5[%dma_wait3A_770, %dma_wait3A_771] : memref<100000x128xf32, #tpu.memory_space<hbm>> -> memref<100000x128xf32, #tpu.memory_space<hbm>>
      tpu.wait_indirect_dma semaphore(%arg25 : memref<!tpu.dma_semaphore, #tpu.memory_space<semaphore_mem>>) src(%dma_wait3A_772 : memref<100000x128xf32, #tpu.memory_space<hbm>>) dst(%arg12 : memref<64x128xf32, #tpu.memory_space<vmem>>)
      %dma_start3A_773 = arith.constant 0 : i32
      %dma_start3A_774 = tpu.memref_slice %arg7[%select_n3A_733, %add3A_752, %dma_start3A_773] : memref<50x4096x256xf32, #tpu.memory_space<hbm>> -> memref<1x64x128xf32, #tpu.memory_space<hbm>>
      %dma_start3A_775 = tpu.memref_squeeze %dma_start3A_774 : memref<1x64x128xf32, #tpu.memory_space<hbm>> -> memref<64x128xf32, #tpu.memory_space<hbm>>
      %dma_start3A_776 = arith.constant 0 : i32
      %dma_start3A_777 = tpu.memref_slice %arg7[%select_n3A_733, %add3A_752, %dma_start3A_776] : memref<50x4096x256xf32, #tpu.memory_space<hbm>> -> memref<1x64x128xf32, #tpu.memory_space<hbm>>
      %dma_start3A_778 = tpu.memref_squeeze %dma_start3A_777 : memref<1x64x128xf32, #tpu.memory_space<hbm>> -> memref<64x128xf32, #tpu.memory_space<hbm>>
      tpu.enqueue_dma source(%arg12 : memref<64x128xf32, #tpu.memory_space<vmem>>) target(%dma_start3A_778 : memref<64x128xf32, #tpu.memory_space<hbm>>) target_semaphore(%arg33 : memref<!tpu.dma_semaphore, #tpu.memory_space<semaphore_mem>>)
      %mul3A_779 = arith.constant 4 : i32
      %mul3A_780 = arith.muli %mul3A_779, %scan3A_73 : i32
      %add3A_781 = arith.constant 3 : i32
      %add3A_782 = arith.addi %mul3A_780, %add3A_781 : i32
      %jit3A_783 = arith.constant 2 : i32
      %div3A_784 = arith.divsi %add3A_782, %jit3A_783 : i32
      %sign3A_785 = arith.constant 0 : i32
      %sign3A_786 = arith.cmpi sgt, %add3A_782, %sign3A_785 : i32
      %sign3A_787 = arith.extui %sign3A_786 : i1 to i32
      %sign3A_788 = arith.constant 0 : i32
      %sign3A_789 = arith.cmpi slt, %add3A_782, %sign3A_788 : i32
      %sign3A_790 = arith.extui %sign3A_789 : i1 to i32
      %sign3A_791 = arith.subi %sign3A_787, %sign3A_790 : i32
      %sign3A_792 = arith.constant 0 : i32
      %sign3A_793 = arith.cmpi sgt, %jit3A_783, %sign3A_792 : i32
      %sign3A_794 = arith.extui %sign3A_793 : i1 to i32
      %sign3A_795 = arith.constant 0 : i32
      %sign3A_796 = arith.cmpi slt, %jit3A_783, %sign3A_795 : i32
      %sign3A_797 = arith.extui %sign3A_796 : i1 to i32
      %sign3A_798 = arith.subi %sign3A_794, %sign3A_797 : i32
      %ne3A_799 = arith.cmpi ne, %sign3A_791, %sign3A_798 : i32
      %rem3A_800 = arith.remsi %add3A_782, %jit3A_783 : i32
      %ne3A_801 = arith.constant 0 : i32
      %ne3A_802 = arith.cmpi ne, %rem3A_800, %ne3A_801 : i32
      %and3A_803 = arith.andi %ne3A_799, %ne3A_802 : i1
      %sub3A_804 = arith.constant 1 : i32
      %sub3A_805 = arith.subi %div3A_784, %sub3A_804 : i32
      %select_n3A_806 = arith.select %and3A_803, %sub3A_805, %div3A_784 : i32
      %jit3A_807 = arith.constant 2 : i32
      %eq3A_808 = arith.constant 0 : i32
      %eq3A_809 = arith.cmpi eq, %jit3A_807, %eq3A_808 : i32
      %jit3A_810 = arith.constant 1 : i32
      %select_n3A_811 = arith.select %eq3A_809, %jit3A_810, %jit3A_807 : i32
      %rem3A_812 = arith.remsi %add3A_782, %select_n3A_811 : i32
      %ne3A_813 = arith.constant 0 : i32
      %ne3A_814 = arith.cmpi ne, %rem3A_812, %ne3A_813 : i32
      %lt3A_815 = arith.constant 0 : i32
      %lt3A_816 = arith.cmpi slt, %rem3A_812, %lt3A_815 : i32
      %lt3A_817 = arith.constant 0 : i32
      %lt3A_818 = arith.cmpi slt, %select_n3A_811, %lt3A_817 : i32
      %ne3A_819 = arith.xori %lt3A_816, %lt3A_818 : i1
      %and3A_820 = arith.andi %ne3A_819, %ne3A_814 : i1
      %add3A_821 = arith.addi %rem3A_812, %select_n3A_811 : i32
      %select_n3A_822 = arith.select %and3A_820, %add3A_821, %rem3A_812 : i32
      %mul3A_823 = arith.constant 64 : i32
      %mul3A_824 = arith.muli %select_n3A_822, %mul3A_823 : i32
      %add3A_825 = arith.addi %mul3A_2, %mul3A_824 : i32
      %mul3A_826 = arith.constant 64 : i32
      %mul3A_827 = arith.muli %select_n3A_822, %mul3A_826 : i32
      %dma_wait3A_828 = tpu.memref_slice %arg9[%select_n3A_806, %mul3A_827] : memref<50x128xi32, #tpu.memory_space<vmem>> -> memref<1x64xi32, #tpu.memory_space<vmem>>
      %dma_wait3A_829 = tpu.memref_squeeze %dma_wait3A_828 : memref<1x64xi32, #tpu.memory_space<vmem>> -> memref<64xi32, #tpu.memory_space<vmem>>
      %dma_wait3A_830 = arith.constant 0 : i32
      %dma_wait3A_831 = arith.constant 0 : i32
      %dma_wait3A_832 = tpu.memref_slice %arg18[%dma_wait3A_830, %dma_wait3A_831] : memref<6000x128xf32, #tpu.memory_space<vmem_shared>> -> memref<6000x128xf32, #tpu.memory_space<vmem_shared>>
      tpu.wait_indirect_dma semaphore(%arg30 : memref<!tpu.dma_semaphore, #tpu.memory_space<semaphore_mem>>) src(%dma_wait3A_832 : memref<6000x128xf32, #tpu.memory_space<vmem_shared>>) dst(%arg17 : memref<64x128xf32, #tpu.memory_space<vmem>>)
      %dma_start3A_833 = arith.constant 128 : i32
      %dma_start3A_834 = tpu.memref_slice %arg7[%select_n3A_806, %add3A_825, %dma_start3A_833] : memref<50x4096x256xf32, #tpu.memory_space<hbm>> -> memref<1x64x128xf32, #tpu.memory_space<hbm>>
      %dma_start3A_835 = tpu.memref_squeeze %dma_start3A_834 : memref<1x64x128xf32, #tpu.memory_space<hbm>> -> memref<64x128xf32, #tpu.memory_space<hbm>>
      %dma_start3A_836 = arith.constant 128 : i32
      %dma_start3A_837 = tpu.memref_slice %arg7[%select_n3A_806, %add3A_825, %dma_start3A_836] : memref<50x4096x256xf32, #tpu.memory_space<hbm>> -> memref<1x64x128xf32, #tpu.memory_space<hbm>>
      %dma_start3A_838 = tpu.memref_squeeze %dma_start3A_837 : memref<1x64x128xf32, #tpu.memory_space<hbm>> -> memref<64x128xf32, #tpu.memory_space<hbm>>
      tpu.enqueue_dma source(%arg17 : memref<64x128xf32, #tpu.memory_space<vmem>>) target(%dma_start3A_838 : memref<64x128xf32, #tpu.memory_space<hbm>>) target_semaphore(%arg34 : memref<!tpu.dma_semaphore, #tpu.memory_space<semaphore_mem>>)
      %mul3A_839 = arith.constant 64 : i32
      %mul3A_840 = arith.muli %select_n3A_822, %mul3A_839 : i32
      %dma_wait3A_841 = tpu.memref_slice %arg8[%select_n3A_806, %mul3A_840] : memref<50x128xi32, #tpu.memory_space<vmem>> -> memref<1x64xi32, #tpu.memory_space<vmem>>
      %dma_wait3A_842 = tpu.memref_squeeze %dma_wait3A_841 : memref<1x64xi32, #tpu.memory_space<vmem>> -> memref<64xi32, #tpu.memory_space<vmem>>
      %dma_wait3A_843 = arith.constant 0 : i32
      %dma_wait3A_844 = arith.constant 0 : i32
      %dma_wait3A_845 = tpu.memref_slice %arg5[%dma_wait3A_843, %dma_wait3A_844] : memref<100000x128xf32, #tpu.memory_space<hbm>> -> memref<100000x128xf32, #tpu.memory_space<hbm>>
      tpu.wait_indirect_dma semaphore(%arg26 : memref<!tpu.dma_semaphore, #tpu.memory_space<semaphore_mem>>) src(%dma_wait3A_845 : memref<100000x128xf32, #tpu.memory_space<hbm>>) dst(%arg13 : memref<64x128xf32, #tpu.memory_space<vmem>>)
      %dma_start3A_846 = arith.constant 0 : i32
      %dma_start3A_847 = tpu.memref_slice %arg7[%select_n3A_806, %add3A_825, %dma_start3A_846] : memref<50x4096x256xf32, #tpu.memory_space<hbm>> -> memref<1x64x128xf32, #tpu.memory_space<hbm>>
      %dma_start3A_848 = tpu.memref_squeeze %dma_start3A_847 : memref<1x64x128xf32, #tpu.memory_space<hbm>> -> memref<64x128xf32, #tpu.memory_space<hbm>>
      %dma_start3A_849 = arith.constant 0 : i32
      %dma_start3A_850 = tpu.memref_slice %arg7[%select_n3A_806, %add3A_825, %dma_start3A_849] : memref<50x4096x256xf32, #tpu.memory_space<hbm>> -> memref<1x64x128xf32, #tpu.memory_space<hbm>>
      %dma_start3A_851 = tpu.memref_squeeze %dma_start3A_850 : memref<1x64x128xf32, #tpu.memory_space<hbm>> -> memref<64x128xf32, #tpu.memory_space<hbm>>
      tpu.enqueue_dma source(%arg13 : memref<64x128xf32, #tpu.memory_space<vmem>>) target(%dma_start3A_851 : memref<64x128xf32, #tpu.memory_space<hbm>>) target_semaphore(%arg34 : memref<!tpu.dma_semaphore, #tpu.memory_space<semaphore_mem>>)
    }
    %scan3A_9 = arith.constant 25 : i32
    %add3A_10 = arith.constant 0 : i32
    %add3A_11 = arith.addi %mul3A_2, %add3A_10 : i32
    %dma_wait3A = arith.constant 48 : i32
    %dma_wait3A_12 = arith.constant 0 : i32
    %dma_wait3A_13 = tpu.memref_slice %arg7[%dma_wait3A, %add3A_11, %dma_wait3A_12] : memref<50x4096x256xf32, #tpu.memory_space<hbm>> -> memref<1x64x128xf32, #tpu.memory_space<hbm>>
    %dma_wait3A_14 = tpu.memref_squeeze %dma_wait3A_13 : memref<1x64x128xf32, #tpu.memory_space<hbm>> -> memref<64x128xf32, #tpu.memory_space<hbm>>
    %dma_wait3A_15 = arith.constant 0 : i32
    %dma_wait3A_16 = tpu.memref_slice %arg7[%dma_wait3A, %add3A_11, %dma_wait3A_15] : memref<50x4096x256xf32, #tpu.memory_space<hbm>> -> memref<1x64x128xf32, #tpu.memory_space<hbm>>
    %dma_wait3A_17 = tpu.memref_squeeze %dma_wait3A_16 : memref<1x64x128xf32, #tpu.memory_space<hbm>> -> memref<64x128xf32, #tpu.memory_space<hbm>>
    tpu.wait_dma2 semaphore(%arg31 : memref<!tpu.dma_semaphore, #tpu.memory_space<semaphore_mem>>) src(%arg10 : memref<64x128xf32, #tpu.memory_space<vmem>>) dst(%dma_wait3A_17 : memref<64x128xf32, #tpu.memory_space<hbm>>)
    %dma_wait3A_18 = arith.constant 48 : i32
    %dma_wait3A_19 = arith.constant 128 : i32
    %dma_wait3A_20 = tpu.memref_slice %arg7[%dma_wait3A_18, %add3A_11, %dma_wait3A_19] : memref<50x4096x256xf32, #tpu.memory_space<hbm>> -> memref<1x64x128xf32, #tpu.memory_space<hbm>>
    %dma_wait3A_21 = tpu.memref_squeeze %dma_wait3A_20 : memref<1x64x128xf32, #tpu.memory_space<hbm>> -> memref<64x128xf32, #tpu.memory_space<hbm>>
    %dma_wait3A_22 = arith.constant 128 : i32
    %dma_wait3A_23 = tpu.memref_slice %arg7[%dma_wait3A_18, %add3A_11, %dma_wait3A_22] : memref<50x4096x256xf32, #tpu.memory_space<hbm>> -> memref<1x64x128xf32, #tpu.memory_space<hbm>>
    %dma_wait3A_24 = tpu.memref_squeeze %dma_wait3A_23 : memref<1x64x128xf32, #tpu.memory_space<hbm>> -> memref<64x128xf32, #tpu.memory_space<hbm>>
    tpu.wait_dma2 semaphore(%arg31 : memref<!tpu.dma_semaphore, #tpu.memory_space<semaphore_mem>>) src(%arg14 : memref<64x128xf32, #tpu.memory_space<vmem>>) dst(%dma_wait3A_24 : memref<64x128xf32, #tpu.memory_space<hbm>>)
    %add3A_25 = arith.constant 64 : i32
    %add3A_26 = arith.addi %mul3A_2, %add3A_25 : i32
    %dma_wait3A_27 = arith.constant 48 : i32
    %dma_wait3A_28 = arith.constant 0 : i32
    %dma_wait3A_29 = tpu.memref_slice %arg7[%dma_wait3A_27, %add3A_26, %dma_wait3A_28] : memref<50x4096x256xf32, #tpu.memory_space<hbm>> -> memref<1x64x128xf32, #tpu.memory_space<hbm>>
    %dma_wait3A_30 = tpu.memref_squeeze %dma_wait3A_29 : memref<1x64x128xf32, #tpu.memory_space<hbm>> -> memref<64x128xf32, #tpu.memory_space<hbm>>
    %dma_wait3A_31 = arith.constant 0 : i32
    %dma_wait3A_32 = tpu.memref_slice %arg7[%dma_wait3A_27, %add3A_26, %dma_wait3A_31] : memref<50x4096x256xf32, #tpu.memory_space<hbm>> -> memref<1x64x128xf32, #tpu.memory_space<hbm>>
    %dma_wait3A_33 = tpu.memref_squeeze %dma_wait3A_32 : memref<1x64x128xf32, #tpu.memory_space<hbm>> -> memref<64x128xf32, #tpu.memory_space<hbm>>
    tpu.wait_dma2 semaphore(%arg32 : memref<!tpu.dma_semaphore, #tpu.memory_space<semaphore_mem>>) src(%arg11 : memref<64x128xf32, #tpu.memory_space<vmem>>) dst(%dma_wait3A_33 : memref<64x128xf32, #tpu.memory_space<hbm>>)
    %dma_wait3A_34 = arith.constant 48 : i32
    %dma_wait3A_35 = arith.constant 128 : i32
    %dma_wait3A_36 = tpu.memref_slice %arg7[%dma_wait3A_34, %add3A_26, %dma_wait3A_35] : memref<50x4096x256xf32, #tpu.memory_space<hbm>> -> memref<1x64x128xf32, #tpu.memory_space<hbm>>
    %dma_wait3A_37 = tpu.memref_squeeze %dma_wait3A_36 : memref<1x64x128xf32, #tpu.memory_space<hbm>> -> memref<64x128xf32, #tpu.memory_space<hbm>>
    %dma_wait3A_38 = arith.constant 128 : i32
    %dma_wait3A_39 = tpu.memref_slice %arg7[%dma_wait3A_34, %add3A_26, %dma_wait3A_38] : memref<50x4096x256xf32, #tpu.memory_space<hbm>> -> memref<1x64x128xf32, #tpu.memory_space<hbm>>
    %dma_wait3A_40 = tpu.memref_squeeze %dma_wait3A_39 : memref<1x64x128xf32, #tpu.memory_space<hbm>> -> memref<64x128xf32, #tpu.memory_space<hbm>>
    tpu.wait_dma2 semaphore(%arg32 : memref<!tpu.dma_semaphore, #tpu.memory_space<semaphore_mem>>) src(%arg15 : memref<64x128xf32, #tpu.memory_space<vmem>>) dst(%dma_wait3A_40 : memref<64x128xf32, #tpu.memory_space<hbm>>)
    %add3A_41 = arith.constant 0 : i32
    %add3A_42 = arith.addi %mul3A_2, %add3A_41 : i32
    %dma_wait3A_43 = arith.constant 49 : i32
    %dma_wait3A_44 = arith.constant 0 : i32
    %dma_wait3A_45 = tpu.memref_slice %arg7[%dma_wait3A_43, %add3A_42, %dma_wait3A_44] : memref<50x4096x256xf32, #tpu.memory_space<hbm>> -> memref<1x64x128xf32, #tpu.memory_space<hbm>>
    %dma_wait3A_46 = tpu.memref_squeeze %dma_wait3A_45 : memref<1x64x128xf32, #tpu.memory_space<hbm>> -> memref<64x128xf32, #tpu.memory_space<hbm>>
    %dma_wait3A_47 = arith.constant 0 : i32
    %dma_wait3A_48 = tpu.memref_slice %arg7[%dma_wait3A_43, %add3A_42, %dma_wait3A_47] : memref<50x4096x256xf32, #tpu.memory_space<hbm>> -> memref<1x64x128xf32, #tpu.memory_space<hbm>>
    %dma_wait3A_49 = tpu.memref_squeeze %dma_wait3A_48 : memref<1x64x128xf32, #tpu.memory_space<hbm>> -> memref<64x128xf32, #tpu.memory_space<hbm>>
    tpu.wait_dma2 semaphore(%arg33 : memref<!tpu.dma_semaphore, #tpu.memory_space<semaphore_mem>>) src(%arg12 : memref<64x128xf32, #tpu.memory_space<vmem>>) dst(%dma_wait3A_49 : memref<64x128xf32, #tpu.memory_space<hbm>>)
    %dma_wait3A_50 = arith.constant 49 : i32
    %dma_wait3A_51 = arith.constant 128 : i32
    %dma_wait3A_52 = tpu.memref_slice %arg7[%dma_wait3A_50, %add3A_42, %dma_wait3A_51] : memref<50x4096x256xf32, #tpu.memory_space<hbm>> -> memref<1x64x128xf32, #tpu.memory_space<hbm>>
    %dma_wait3A_53 = tpu.memref_squeeze %dma_wait3A_52 : memref<1x64x128xf32, #tpu.memory_space<hbm>> -> memref<64x128xf32, #tpu.memory_space<hbm>>
    %dma_wait3A_54 = arith.constant 128 : i32
    %dma_wait3A_55 = tpu.memref_slice %arg7[%dma_wait3A_50, %add3A_42, %dma_wait3A_54] : memref<50x4096x256xf32, #tpu.memory_space<hbm>> -> memref<1x64x128xf32, #tpu.memory_space<hbm>>
    %dma_wait3A_56 = tpu.memref_squeeze %dma_wait3A_55 : memref<1x64x128xf32, #tpu.memory_space<hbm>> -> memref<64x128xf32, #tpu.memory_space<hbm>>
    tpu.wait_dma2 semaphore(%arg33 : memref<!tpu.dma_semaphore, #tpu.memory_space<semaphore_mem>>) src(%arg16 : memref<64x128xf32, #tpu.memory_space<vmem>>) dst(%dma_wait3A_56 : memref<64x128xf32, #tpu.memory_space<hbm>>)
    %add3A_57 = arith.constant 64 : i32
    %add3A_58 = arith.addi %mul3A_2, %add3A_57 : i32
    %dma_wait3A_59 = arith.constant 49 : i32
    %dma_wait3A_60 = arith.constant 0 : i32
    %dma_wait3A_61 = tpu.memref_slice %arg7[%dma_wait3A_59, %add3A_58, %dma_wait3A_60] : memref<50x4096x256xf32, #tpu.memory_space<hbm>> -> memref<1x64x128xf32, #tpu.memory_space<hbm>>
    %dma_wait3A_62 = tpu.memref_squeeze %dma_wait3A_61 : memref<1x64x128xf32, #tpu.memory_space<hbm>> -> memref<64x128xf32, #tpu.memory_space<hbm>>
    %dma_wait3A_63 = arith.constant 0 : i32
    %dma_wait3A_64 = tpu.memref_slice %arg7[%dma_wait3A_59, %add3A_58, %dma_wait3A_63] : memref<50x4096x256xf32, #tpu.memory_space<hbm>> -> memref<1x64x128xf32, #tpu.memory_space<hbm>>
    %dma_wait3A_65 = tpu.memref_squeeze %dma_wait3A_64 : memref<1x64x128xf32, #tpu.memory_space<hbm>> -> memref<64x128xf32, #tpu.memory_space<hbm>>
    tpu.wait_dma2 semaphore(%arg34 : memref<!tpu.dma_semaphore, #tpu.memory_space<semaphore_mem>>) src(%arg13 : memref<64x128xf32, #tpu.memory_space<vmem>>) dst(%dma_wait3A_65 : memref<64x128xf32, #tpu.memory_space<hbm>>)
    %dma_wait3A_66 = arith.constant 49 : i32
    %dma_wait3A_67 = arith.constant 128 : i32
    %dma_wait3A_68 = tpu.memref_slice %arg7[%dma_wait3A_66, %add3A_58, %dma_wait3A_67] : memref<50x4096x256xf32, #tpu.memory_space<hbm>> -> memref<1x64x128xf32, #tpu.memory_space<hbm>>
    %dma_wait3A_69 = tpu.memref_squeeze %dma_wait3A_68 : memref<1x64x128xf32, #tpu.memory_space<hbm>> -> memref<64x128xf32, #tpu.memory_space<hbm>>
    %dma_wait3A_70 = arith.constant 128 : i32
    %dma_wait3A_71 = tpu.memref_slice %arg7[%dma_wait3A_66, %add3A_58, %dma_wait3A_70] : memref<50x4096x256xf32, #tpu.memory_space<hbm>> -> memref<1x64x128xf32, #tpu.memory_space<hbm>>
    %dma_wait3A_72 = tpu.memref_squeeze %dma_wait3A_71 : memref<1x64x128xf32, #tpu.memory_space<hbm>> -> memref<64x128xf32, #tpu.memory_space<hbm>>
    tpu.wait_dma2 semaphore(%arg34 : memref<!tpu.dma_semaphore, #tpu.memory_space<semaphore_mem>>) src(%arg17 : memref<64x128xf32, #tpu.memory_space<vmem>>) dst(%dma_wait3A_72 : memref<64x128xf32, #tpu.memory_space<hbm>>)
    return
  }
}

</mosaic_0001>

<sc_bundles>
// kernel: kernel.3.cloned.1.call-start
scs
__scs_entry_jumppad:
0x0: {  	(pc) =	sbr.rel $0x88, $3  }
0x1: {  	(tag) =	ssettag $0x0;
	lr =	simm.s32 $0x1  }
0x2: {  	[smem:$0x3F9A] =	sst lr;
	_ =	strace $0xD0000000  }
0x3: {  	_ = 	snop  }
0x4: {  	_ = 	snop  }
0x5: {  	_ = 	snop  }
0x6: {  	_ = 	snop  }
0x7: {  	_ = 	snop  }
__scs_overlays_trampoline_lowered:
0x8: {  	[smem:$0x3FA9] =	sst s0  }
0x9: {  	[smem:$0x3FAA] =	sst s1  }
0xa: {  	[smem:$0x3FAB] =	sst s2  }
0xb: {  	[smem:$0x3FAC] =	sst s3  }
0xc: {  	[smem:$0x3FAD] =	sst s4  }
0xd: {  	[smem:$0x3FAE] =	sst s5  }
0xe: {  	[smem:$0x3FAF] =	sst s6  }
0xf: {  	[smem:$0x3FB0] =	sst s7  }
0x10: {  	[smem:$0x3FB1] =	sst s8  }
0x11: {  	[smem:$0x3FB2] =	sst s9;
	s0 =	simm.s32 @!p0 $0x0  }
0x12: {  	s1 =	sld [smem:$0x3F98];
	s0 =	simm.s32 @p0 $0x1  }
0x13: {  	[smem:$0x3FB3] =	sst s0;
	s0 =	simm.s32 @!p1 $0x0  }
0x14: {  	s2 =	sld [smem:$0x3F97];
	s0 =	simm.s32 @p1 $0x1  }
0x15: {  	[smem:$0x3FB4] =	sst s0;
	s0 =	simm.s32 @!p2 $0x0  }
0x16: {  	s3 =	sld [smem:$0x3FDB];
	s0 =	simm.s32 @p2 $0x1  }
0x17: {  	s4 =	simm.s32 $0x1BF5;
	[smem:$0x3FB6] =	sst s0  }
0x18: {  	s0 =	sld [smem:$0x3F99];
	_ =	swait.ge [sflag:s4], $0x0  }
0x19: {  	s7 =	sld [smem:$0x3F9A]  }
0x1a: {  	s8 =	sadd.s32 $0xFFFFE003, lr  }
0x1b: {  	s9 =	sadd.s32 $0xFFFFFEF7, lr;
	s5 =	simm.s32 $0xFFFFFFFF;
	p2 =	slt.u32 s8, $0xFFFFF086  }
0x1c: {  	p1 =	slt.u32 s9, $0xF7A;
	s5 =	simm.s32 @!p2 $0x0  }
0x1d: {  	s5 =	simm.s32 @p1 $0x1;
	p0 =	seq.s32 s7, s2  }
0x1e: {  	s7 =	smul.u32 @!p0 $0xF7A, s2;
	p2 =	seq.s32 @!p0 s5, $0x0  }
0x1f: {  	s9 =	smul.u32 $0xF7A, s1;
	s8 =	simm.s32 @!p0 $0x1BF5;
	p2 =	por !p2, p0  }
0x20: {  	[sflag:s8] =	ssyncset.s32 @!p0 $0xFFFFF086;
	s6 =	sadd.s32 @!p0 s3, s7;
	s7 =	simm.s32 @!p0 $0x108  }
0x21: {  	s3 =	sadd.s32 s3, s9;
	s6 =	sadd.s32 @!p0 $0x88, s6;
	s7 =	simm.s32 @p2 $0x1082  }
0x22: {  	[simem:s7], [sflag:s8] =	dma.local @!p0 [hbm:s6], $0xF7A  }
0x23: {  	s9 =	sor.u32 $0xD0000000, s2;
	s6 =	simm.s32 $0x108;
	_ =	swait.ge @!p0 [sflag:s8], $0x0  }
0x24: {  	s3 =	sadd.s32 $0x88, s3;
	s6 =	simm.s32 @!p1 $0x1082;
	[sflag:s4] =	ssyncset.s32 $0xFFFFF086  }
0x25: {  	[simem:s6], [sflag:s4] =	dma.local [hbm:s3], $0xF7A  }
0x26: {  	[smem:$0x3F9A] =	sst s1;
	(tag) =	ssettag s2;
	_ =	strace s9  }
0x27: {  	s1 =	sld [smem:$0x3FAA]  }
0x28: {  	s2 =	sld [smem:$0x3FAB]  }
0x29: {  	s4 =	sld [smem:$0x3FAD]  }
0x2a: {  	p0 =	seq.s32 s5, $0x0;
	s5 =	sld [smem:$0x3FAE]  }
0x2b: {  	s6 =	sld [smem:$0x3FAF]  }
0x2c: {  	s7 =	sld [smem:$0x3FB0]  }
0x2d: {  	s3 =	simm.s32 $0x108;
	s8 =	sld [smem:$0x3FB1]  }
0x2e: {  	s3 =	simm.s32 @!p0 $0x1082;
	s9 =	sld [smem:$0x3FB2]  }
0x2f: {  	lr =	sadd.s32 s0, s3;
	s0 =	sld [smem:$0x3FA9]  }
0x30: {  	s3 =	sld [smem:$0x3FAC]  }
0x31: {  	[smem:$0x3FB5] =	sst s10  }
0x32: {  	s10 =	sld [smem:$0x3FB3];
	_ =	sdelay $0x3  }
0x33: {  	p0 =	seq.s32 s10, $0x1;
	s10 =	sld [smem:$0x3FB5];
	_ =	sdelay $0x3  }
0x34: {  	[smem:$0x3FB5] =	sst s10  }
0x35: {  	s10 =	sld [smem:$0x3FB4];
	_ =	sdelay $0x3  }
0x36: {  	p1 =	seq.s32 s10, $0x1;
	s10 =	sld [smem:$0x3FB5];
	_ =	sdelay $0x3  }
0x37: {  	[smem:$0x3FB5] =	sst s10  }
0x38: {  	s10 =	sld [smem:$0x3FB6]  }
0x39: {  	_ = 	snop;
	(pc) =	sbr.ind lr, $3  }
0x3a: {  	_ = 	snop  }
0x3b: {  	_ = 	snop  }
0x3c: {  	p2 =	seq.s32 s10, $0x1;
	s10 =	sld [smem:$0x3FB5]  }
0x3d: {  	_ =	shalt  }
0x3e: {  	_ =	shalt  }
0x3f: {  	_ =	shalt  }
0x40: {  	_ =	shalt  }
0x41: {  	_ =	shalt  }
0x42: {  	_ =	shalt  }
0x43: {  	_ =	shalt  }
0x44: {  	_ =	shalt  }
0x45: {  	_ =	shalt  }
0x46: {  	_ =	shalt  }
0x47: {  	_ =	shalt  }
0x48: {  	_ =	shalt  }
0x49: {  	_ =	shalt  }
0x4a: {  	_ =	shalt  }
0x4b: {  	_ =	shalt  }
0x4c: {  	_ =	shalt  }
0x4d: {  	_ =	shalt  }
0x4e: {  	_ =	shalt  }
0x4f: {  	_ =	shalt  }
0x50: {  	_ =	shalt  }
0x51: {  	_ =	shalt  }
0x52: {  	_ =	shalt  }
0x53: {  	_ =	shalt  }
0x54: {  	_ =	shalt  }
0x55: {  	_ =	shalt  }
0x56: {  	_ =	shalt  }
0x57: {  	_ =	shalt  }
0x58: {  	_ =	shalt  }
0x59: {  	_ =	shalt  }
0x5a: {  	_ =	shalt  }
0x5b: {  	_ =	shalt  }
0x5c: {  	_ =	shalt  }
0x5d: {  	_ =	shalt  }
0x5e: {  	_ =	shalt  }
0x5f: {  	_ =	shalt  }
0x60: {  	_ =	shalt  }
0x61: {  	_ =	shalt  }
0x62: {  	_ =	shalt  }
0x63: {  	_ =	shalt  }
0x64: {  	_ =	shalt  }
0x65: {  	_ =	shalt  }
0x66: {  	_ =	shalt  }
0x67: {  	_ =	shalt  }
0x68: {  	_ =	shalt  }
0x69: {  	_ =	shalt  }
0x6a: {  	_ =	shalt  }
0x6b: {  	_ =	shalt  }
0x6c: {  	_ =	shalt  }
0x6d: {  	_ =	shalt  }
0x6e: {  	_ =	shalt  }
0x6f: {  	_ =	shalt  }
0x70: {  	_ =	shalt  }
0x71: {  	_ =	shalt  }
0x72: {  	_ =	shalt  }
0x73: {  	_ =	shalt  }
0x74: {  	_ =	shalt  }
0x75: {  	_ =	shalt  }
0x76: {  	_ =	shalt  }
0x77: {  	_ =	shalt  }
0x78: {  	_ =	shalt  }
0x79: {  	_ =	shalt  }
0x7a: {  	_ =	shalt  }
0x7b: {  	_ =	shalt  }
0x7c: {  	_ =	shalt  }
0x7d: {  	_ =	shalt  }
0x7e: {  	_ =	shalt  }
0x7f: {  	_ =	shalt  }
0x80: {  	_ =	shalt  }
0x81: {  	_ =	shalt  }
0x82: {  	_ =	shalt  }
0x83: {  	_ =	shalt  }
0x84: {  	_ =	shalt  }
0x85: {  	_ =	shalt  }
0x86: {  	_ =	shalt  }
0x87: {  	_ =	shalt  }
.Lfunc_end0:
.L_simem_size_0:
called_computation_lowered:
.L_overlay_start_0:
0x88: {  	s2 =	sld [smem:$0x3FD9]  }
0x89: {  	s3 =	sld [smem:$0x3FFE];
	_ =	sdelay $0x1  }
0x8a: {  	s1 =	srdreg.scid  }
0x8b: {  	s0 =	sand.u32 $0x1, s1  }
0x8c: {  	s17 =	sshll.u32 s0, $0xA;
	s2 =	sadd.s32 s3, s2  }
0x8d: {  	s2 =	sadd.s32 s2, s17  }
0x8e: {  	[smem:$0x3FC1] =	sst s2  }
0x8f: {  	_ = 	snop  }
0x90: {  	s2 =	sld [smem:$0x3FC9]  }
0x91: {  	s18 =	sld [smem:$0x3FC6]  }
0x92: {  	s4 =	sld [smem:$0x3FC5]  }
0x93: {  	s5 =	sld [smem:$0x3FD0];
	(tm) =	ssettm $0x1  }
0x94: {  	s6 =	sld [smem:$0x3FFB];
	_ =	sdelay $0x3  }
0x95: {  	_ =	strace s6  }
0x96: {  	s6 =	sld [smem:$0x3FFC];
	_ =	sdelay $0x3  }
0x97: {  	_ =	strace s6  }
0x98: {  	s6 =	sld [smem:$0x3FFD];
	_ =	sdelay $0x3  }
0x99: {  	_ =	strace s6  }
0x9a: {  	_ =	strace $0x8FFFFFFF  }
0x9b: {  	s19 =	sld [smem:$0x3FDB];
	_ =	sdelay $0x1  }
0x9c: {  	s7 =	simm.s32 $_scs_section_size  }
0x9d: {  	s8 =	simm.s32 $_size__tile_overlayer_lowered;
	s9 =	simm.s32 $_tile_overlayer_lowered  }
0x9e: {  	s22 =	simm.s32 $0x1BFF;
	s21 =	sshll.u32 s9, $0x1;
	s6 =	sadd.s32 s7, s19  }
0x9f: {  	s10 =	simm.s32 $0x0;
	s20 =	sshll.u32 s8, $0x1;
	s8 =	sadd.s32 s21, s6  }
0xa0: {  	[timem:s10], [sflag:s22] =	dma.local [hbm:s8], s20  }
0xa1: {  	_ =	swait.ge [sflag:s22], s20  }
0xa2: {  	s7 =	ssub.s32 $0x0, s20;
	[sflag:s22] =	ssyncset.done $0x0  }
0xa3: {  	[sflag:s22] =	ssyncadd.s32 s7;
	_ =	sdelay $0x1  }
0xa4: {  	s23 =	simm.s32 $0x1B8B  }
0xa5: {  	_ =	swait.ge [sflag:s23], $0x1  }
0xa6: {  	[sflag:s23] =	ssyncset.done $0x0  }
0xa7: {  	s25 =	simm.s32 $0x1B8E;
	s24 =	sld [smem:$0x3FFE];
	[sflag:s23] =	ssyncadd.s32 $0xFFFFFFFF  }
0xa8: {  	s26 =	simm.s32 $execute0_lowered;
	[smem:$0x3FD2] =	sst s25  }
0xa9: {  	s8 =	sshll.u32 s26, $0x1;
	_ =	strace $0x80000046;
	[dreg:$0x1] =	wrdreg $0xFFFFFFFF  }
0xaa: {  	s28 =	simm.s32 $_size_execute0_lowered;
	s6 =	sadd.s32 s6, s8;
	[dreg:$0x0] =	wrdreg $0x0  }
0xab: {  	s8 =	sshll.u32 s28, $0x1;
	[dreg:$0x2] =	wrdreg s6  }
0xac: {  	[dreg:$0x3] =	wrdreg s8  }
0xad: {  	[dreg:$0x4] =	wrdreg $0xC0  }
0xae: {  	_ =	task [dreg:s10], $0x5FFFF  }
0xaf: {  	[dreg:$0x1] =	wrdreg $0xFFFFFFFF  }
0xb0: {  	[dreg:$0x0] =	wrdreg $0x60  }
0xb1: {  	[dreg:$0x2] =	wrdreg s2  }
0xb2: {  	[dreg:$0x3] =	wrdreg s24  }
0xb3: {  	[dreg:$0x4] =	wrdreg s18  }
0xb4: {  	[dreg:$0x5] =	wrdreg s4  }
0xb5: {  	[dreg:$0x6] =	wrdreg s5  }
0xb6: {  	[dreg:$0x7] =	wrdreg $0x138000  }
0xb7: {  	[dreg:$0x8] =	wrdreg $0x9  }
0xb8: {  	_ =	task.clear_ibuf [dreg:s10], $0x9FFFF;
	_ =	strace $0x90000046  }
0xb9: {  	s29 =	simm.s32 $0x9;
	_ =	strace $0x80000048  }
0xba: {  	_ =	swait.ge [sflag:s29], $0x1  }
0xbb: {  	[sflag:s29] =	ssyncadd.s32 $0xFFFFFFFF  }
0xbc: {  	_ =	strace $0x90000048  }
0xbd: {  	_ =	sfence  }
0xbe: {  	s30 =	sld [smem:$0x0];
	_ =	sdelay $0x2  }
0xbf: {  	s31 =	sshll.u32 s1, $0xD;
	s1 =	sshrl.u32 s1, $0x2  }
0xc0: {  	s3 =	sand.u32 $0x4000, s31;
	s1 =	sadd.s32 s1, s30  }
0xc1: {  	s0 =	sor.u32 s3, s0;
	s1 =	sshll.u32 s1, $0x11  }
0xc2: {  	s0 =	sor.u32 s1, s0  }
0xc3: {  	s0 =	sadd.s32 $0x8F2B, s0  }
0xc4: {  	[sflag:s0] =	ssyncadd.remote.s32 $0x1  }
0xc5: {  	_ =	sfence.sel $0xFFFF  }
0xc6: {  	[dreg:$0x0] =	wrdreg $0xFFFFFFFF;
	(pc) =	sbr.abs _section_cstart, $3  }
0xc7: {  	[dreg:$0x1] =	wrdreg $0xFFFFFFFF  }
0xc8: {  	_ =	task.clear_ibuf [dreg:s10], $0x2FFFF;
	_ =	strace $0x9FFFFFFF  }
0xc9: {  	(tm) =	ssettm $0x7FFFFFFF  }
tec
execute0_lowered:
.L_overlay_start_1:
0x0: {  	(tag) =	ssettag $0x1  }
0x1: {  	s0 =	rddreg [dreg:$0x0]  }
0x2: {  	s2 =	rddreg [dreg:$0x1]  }
0x3: {  	s4 =	rddreg [dreg:$0x2]  }
0x4: {  	s1 =	rddreg [dreg:$0x3]  }
0x5: {  	s3 =	rddreg [dreg:$0x5];
	s5 =	simm.s32 $0x0  }
0x6: {  	s6 =	srdreg.scid;
	s13 =	stileid.u32;
	s14 =	simm.s32 $0x4  }
0x7: {  	s31 =	simm.s32 $0x9800;
	s30 =	simm.s32 $0xD800;
	s29 =	simm.s32 $0x7800  }
0x8: {  	[smem:$0x7FF] =	sst s5;
	s6 =	sand.u32 $0x1, s6;
	s15 =	smul.u32 $0x1700, s13  }
0x9: {  	s7 =	sshll.u32 s13, $0x8;
	s12 =	smul.u32 $0x2E000, s13;
	s19 =	sshll.u32 s13, $0x10  }
0xa: {  	s21 =	sshll.u32 s13, $0xC;
	s28 =	sshll.u32 s13, $0x6;
	s13 =	simm.s32 $0xB  }
0xb: {  	_ =	strace $0x80000047;
	s8 =	sshll.u32 s6, $0x7;
	s9 =	ssub.s32 $0x2, s6  }
0xc: {  	s20 =	sshll.u32 s6, $0xF;
	s6 =	sshll.u32 s6, $0xB;
	s7 =	sor.u32 s8, s7  }
0xd: {  	s11 =	sshrl.u32 s9, $0x1;
	s18 =	sshrl.u32 s12, $0x2;
	s12 =	simm.s32 $0x400  }
0xe: {  	s10 =	sadd.s32 s7, s2;
	s2 =	sadd.s32 s15, s2;
	s16 =	ssub.s32 s9, s11  }
0xf: {  	s0 =	sadd.s32 s0, s7;
	s9 =	sor.u32 s20, s19;
	s23 =	sshll.u32 s7, $0x5  }
0x10: {  	s7 =	simm.s32 $0x5;
	s11 =	simm.s32 $0x0;
	[dreg:$0xa] =	wrdreg s0  }
0x11: {  	s0 =	sadd.s32 $0x6000, s0;
	s17 =	sadd.s32 $0x18200, s10;
	[dreg:$0x8] =	wrdreg s23  }
0x12: {  	s2 =	sadd.s32 $0xA00, s2;
	s8 =	smax.u32 s16, $0x1;
	[dreg:$0xb] =	wrdreg s0  }
0x13: {  	s22 =	sshrl.u32 s9, $0x3;
	s24 =	sor.u32 $0x100000, s9;
	[dreg:$0xd] =	wrdreg s2  }
0x14: {  	s16 =	simm.s32 $0x9;
	s9 =	simm.s32 $0xA;
	[dreg:$0xe] =	wrdreg s8  }
0x15: {  	s10 =	simm.s32 $0x6;
	s0 =	sadd.s32 s18, s3;
	[dreg:$0x7] =	wrdreg s22  }
0x16: {  	s2 =	sadd.s32 s21, s4;
	s25 =	sshrl.u32 s24, $0x3;
	[dreg:$0xc] =	wrdreg s17  }
0x17: {  	s26 =	sadd.s32 $0x6000, s17;
	s22 =	simm.s32 $0x40;
	[dreg:$0x9] =	wrdreg s25  }
0x18: {  	s4 =	simm.s32 $0x3;
	s2 =	sadd.s32 s6, s2;
	[dreg:$0x10] =	wrdreg s26  }
0x19: {  	s18 =	simm.s32 $0x800;
	s0 =	sshrl.u32 s0, $0x3;
	[dreg:$0xf] =	wrdreg s2  }
0x1a: {  	s8 =	simm.s32 $0xC;
	s2 =	sor.u32 $0x1C11, s28;
	[dreg:$0x12] =	wrdreg s0  }
0x1b: {  	s17 =	simm.s32 $0x8;
	s6 =	simm.s32 $0x7;
	[dreg:$0x11] =	wrdreg s2  }
.LBB2_1:
0x1c: {  	[dreg:$0x13] =	wrdreg s11  }
0x1d: {  	s2 =	rddreg [dreg:$0xa];
	s0 =	simm.s32 $0x8000  }
0x1e: {  	[tilespmem:s5], [sflag:$0x11] =	stream.strided.gather [hbm4b:s2+s12], $0x1800, s0, s12, $0x38;
	[tilespmem:$0x1F380] =	vst v63  }
0x1f: {  	s19 =	rddreg [dreg:$0xb];
	s15 =	simm.s32 $0x1800;
	s20 =	simm.s32 $0x11  }
0x20: {  	[tilespmem:s15], [sflag:$0x11] =	stream.linear.gather [hbm4b:s19+s5], $0x100, $0x38;
	[tilespmem:$0x1F380] =	vst v63  }
0x21: {  	_ =	swait.ge [sflag:s20], $0x1900  }
0x22: {  	[sflag:s20] =	ssyncset.done $0x0  }
0x23: {  	s19 =	simm.s32 $0x1C00;
	s21 =	rddreg [dreg:$0xc];
	[sflag:s20] =	ssyncadd.s32 $0xFFFFE700  }
0x24: {  	[tilespmem:s19], [sflag:$0x11] =	stream.strided.gather [hbm4b:s21+s12], $0x1800, s0, s12, $0x38;
	[tilespmem:$0x1F380] =	vst v63  }
0x25: {  	s24 =	simm.s32 $0x3400;
	s23 =	rddreg [dreg:$0x10]  }
0x26: {  	[tilespmem:s24], [sflag:$0x11] =	stream.linear.gather [hbm4b:s23+s5], $0x100, $0x38;
	[tilespmem:$0x1F380] =	vst v63  }
0x27: {  	_ =	swait.ge [sflag:s20], $0x1900  }
0x28: {  	s25 =	rddreg [dreg:$0xd]  }
0x29: {  	[sflag:s20] =	ssyncset.done $0x0;
	s26 =	rddreg [dreg:$0x11]  }
0x2a: {  	s28 =	rddreg [dreg:$0x12];
	[sflag:s20] =	ssyncadd.s32 $0xFFFFE700  }
0x2b: {  	[spmem:s28], [sflag:s26] =	dma.local [hbm:s25], $0x1E00  }
0x2c: {  	_ =	swait.ge [sflag:s20], $0x1E00  }
0x2d: {  	[sflag:s20] =	ssyncset.done $0x0  }
0x2e: {  	p0 =	por $0x1, $0x1;
	[sflag:s20] =	ssyncadd.s32 $0xFFFFE200  }
0x2f: {  	s2 =	simm.s32 @!p0 $0xD;
	[bflag:$0x0] =	sbarrier.arrive $0xFFFF  }
0x30: {  	_ =	swait.ge @!p0 [sflag:s2], $0x2000  }
0x31: {  	[sflag:s2] =	ssyncset.done @!p0 $0x0  }
0x32: {  	[sflag:s2] =	ssyncadd.s32 @!p0 $0xFFFFE000  }
0x33: {  	_ =	swait.ge @!p0 [sflag:s2], $0x2000  }
0x34: {  	[sflag:s2] =	ssyncset.done @!p0 $0x0  }
0x35: {  	s20 =	simm.s32 $0x3800;
	s19 =	rddreg [dreg:$0xf];
	[sflag:s2] =	ssyncadd.s32 @!p0 $0xFFFFE000  }
0x36: {  	[tilespmem:s20], [sflag:$0x1] =	stream.linear.gather [hbm4b:s19+s5], $0x2000, $0x38;
	[tilespmem:$0x1F380] =	vst v63  }
0x37: {  	s11 =	simm.s32 @!p0 $0xE;
	s15 =	simm.s32 $0xB800;
	s0 =	simm.s32 $0x1C00  }
0x38: {  	[tilespmem:s15], [sflag:$0x9] =	stream.indirect.gather [spmem:s3], $0x80, s0, s22, $0xb8;
	[tilespmem:$0x1F380] =	vst v63  }
0x39: {  	_ =	swait.ge @!p0 [sflag:s11], $0x2000  }
0x3a: {  	[sflag:s11] =	ssyncset.done @!p0 $0x0  }
0x3b: {  	[sflag:s11] =	ssyncadd.s32 @!p0 $0xFFFFE000  }
0x3c: {  	_ =	swait.ge @!p0 [sflag:s11], $0x2000  }
0x3d: {  	[sflag:s11] =	ssyncset.done @!p0 $0x0  }
0x3e: {  	s24 =	simm.s32 $0x5800;
	[sflag:s11] =	ssyncadd.s32 @!p0 $0xFFFFE000;
	s11 =	sadd.s32 $0x400, s19  }
0x3f: {  	[tilespmem:s24], [sflag:$0x2] =	stream.linear.gather [hbm4b:s11+s5], $0x2000, $0x38;
	[tilespmem:$0x1F380] =	vst v63  }
0x40: {  	s21 =	simm.s32 $0x1C40;
	s25 =	simm.s32 $0xD800;
	s11 =	simm.s32 @!p0 $0xF  }
0x41: {  	[tilespmem:s25], [sflag:$0xA] =	stream.indirect.gather [spmem:s3], $0x80, s21, s22, $0xb8;
	[tilespmem:$0x1F380] =	vst v63  }
0x42: {  	_ =	swait.ge @!p0 [sflag:s11], $0x2000  }
0x43: {  	[sflag:s11] =	ssyncset.done @!p0 $0x0  }
0x44: {  	[sflag:s11] =	ssyncadd.s32 @!p0 $0xFFFFE000  }
0x45: {  	_ =	swait.ge @!p0 [sflag:s11], $0x2000  }
0x46: {  	[sflag:s11] =	ssyncset.done @!p0 $0x0  }
0x47: {  	s26 =	simm.s32 $0x7800;
	s23 =	sadd.s32 $0x10000, s19;
	[sflag:s11] =	ssyncadd.s32 @!p0 $0xFFFFE000  }
0x48: {  	[tilespmem:s26], [sflag:$0x3] =	stream.linear.gather [hbm4b:s23+s5], $0x2000, $0x38;
	[tilespmem:$0x1F380] =	vst v63  }
0x49: {  	s28 =	simm.s32 $0x1C80;
	s21 =	simm.s32 $0xF800;
	s11 =	simm.s32 @!p0 $0x10  }
0x4a: {  	[tilespmem:s21], [sflag:$0xB] =	stream.indirect.gather [spmem:s3], $0x80, s28, s22, $0xb8;
	[tilespmem:$0x1F380] =	vst v63  }
0x4b: {  	_ =	swait.ge @!p0 [sflag:s11], $0x2000  }
0x4c: {  	[sflag:s11] =	ssyncset.done @!p0 $0x0  }
0x4d: {  	[sflag:s11] =	ssyncadd.s32 @!p0 $0xFFFFE000  }
0x4e: {  	_ =	swait.ge @!p0 [sflag:s11], $0x2000  }
0x4f: {  	[sflag:s11] =	ssyncset.done @!p0 $0x0  }
0x50: {  	s0 =	sadd.s32 $0x10400, s19;
	[sflag:s11] =	ssyncadd.s32 @!p0 $0xFFFFE000;
	s11 =	simm.s32 $0x9800  }
0x51: {  	[tilespmem:s11], [sflag:$0x4] =	stream.linear.gather [hbm4b:s0+s5], $0x2000, $0x38;
	[tilespmem:$0x1F380] =	vst v63  }
0x52: {  	s23 =	simm.s32 $0x1CC0;
	s0 =	simm.s32 $0x11800  }
0x53: {  	[tilespmem:s0], [sflag:$0xC] =	stream.indirect.gather [spmem:s3], $0x80, s23, s22, $0xb8;
	[tilespmem:$0x1F380] =	vst v63  }
0x54: {  	s23 =	simm.s32 $0x1  }
0x55: {  	_ =	swait.ge [sflag:s23], $0x2000  }
0x56: {  	[sflag:s23] =	ssyncset.done $0x0  }
0x57: {  	s28 =	simm.s32 $0x0;
	[sflag:s23] =	ssyncadd.s32 $0xFFFFE000;
	s23 =	simm.s32 $0x2  }
0x58: {  	[tilespmem:s20], [sflag:$0x5] =	stream.indirect.gather.add.f32 [hbm:s1], $0x80, s28, s22, $0xb8;
	[tilespmem:$0x1F380] =	vst v63  }
0x59: {  	_ =	swait.ge [sflag:s23], $0x2000  }
0x5a: {  	[sflag:s23] =	ssyncset.done $0x0  }
0x5b: {  	s28 =	simm.s32 $0x40;
	[sflag:s23] =	ssyncadd.s32 $0xFFFFE000  }
0x5c: {  	[tilespmem:s24], [sflag:$0x6] =	stream.indirect.gather.add.f32 [hbm:s1], $0x80, s28, s22, $0xb8;
	[tilespmem:$0x1F380] =	vst v63  }
0x5d: {  	_ =	swait.ge [sflag:s4], $0x2000  }
0x5e: {  	[sflag:s4] =	ssyncset.done $0x0  }
0x5f: {  	s23 =	simm.s32 $0x80;
	[sflag:s4] =	ssyncadd.s32 $0xFFFFE000  }
0x60: {  	[tilespmem:s26], [sflag:$0x7] =	stream.indirect.gather.add.f32 [hbm:s1], $0x80, s23, s22, $0xb8;
	[tilespmem:$0x1F380] =	vst v63  }
0x61: {  	_ =	swait.ge [sflag:s14], $0x2000  }
0x62: {  	[sflag:s14] =	ssyncset.done $0x0  }
0x63: {  	s28 =	simm.s32 $0xC0;
	[sflag:s14] =	ssyncadd.s32 $0xFFFFE000  }
0x64: {  	[tilespmem:s11], [sflag:$0x8] =	stream.indirect.gather.add.f32 [hbm:s1], $0x80, s28, s22, $0xb8;
	[tilespmem:$0x1F380] =	vst v63  }
0x65: {  	_ =	swait.ge [sflag:s16], $0x2000  }
0x66: {  	s11 =	rddreg [dreg:$0x7];
	[sflag:s16] =	ssyncset.done $0x0  }
0x67: {  	s23 =	rddreg [dreg:$0x4]  }
0x68: {  	s2 =	sadd.s32 s23, s11  }
0x69: {  	[sflag:s16] =	ssyncadd.s32 $0xFFFFE000;
	s28 =	sadd.s32 $0x80, s2  }
0x6a: {  	[hbm4b:s28+s12] =	stream.strided.scatter [tilespmem:s15], [sflag:$0xD], $0x2000, s18, s12, $0x38;
	[tilespmem:$0x1F380] =	vst v63  }
0x6b: {  	_ =	swait.ge [sflag:s7], $0x2000  }
0x6c: {  	[sflag:s7] =	ssyncset.done $0x0  }
0x6d: {  	[sflag:s7] =	ssyncadd.s32 $0xFFFFE000  }
0x6e: {  	[hbm4b:s2+s12] =	stream.strided.scatter [tilespmem:s20], [sflag:$0xD], $0x2000, s18, s12, $0x38;
	[tilespmem:$0x1F380] =	vst v63  }
0x6f: {  	_ =	swait.ge [sflag:s9], $0x2000  }
0x70: {  	s11 =	rddreg [dreg:$0x8]  }
0x71: {  	[sflag:s9] =	ssyncset.done $0x0;
	s20 =	sadd.s32 s23, s11  }
0x72: {  	[sflag:s9] =	ssyncadd.s32 $0xFFFFE000;
	s2 =	sadd.s32 $0x880, s20  }
0x73: {  	[hbm4b:s2+s12] =	stream.strided.scatter [tilespmem:s25], [sflag:$0xE], $0x2000, s18, s12, $0x38;
	[tilespmem:$0x1F380] =	vst v63  }
0x74: {  	_ =	swait.ge [sflag:s10], $0x2000  }
0x75: {  	[sflag:s10] =	ssyncset.done $0x0  }
0x76: {  	s15 =	sadd.s32 $0x800, s20;
	[sflag:s10] =	ssyncadd.s32 $0xFFFFE000  }
0x77: {  	[hbm4b:s15+s12] =	stream.strided.scatter [tilespmem:s24], [sflag:$0xE], $0x2000, s18, s12, $0x38;
	[tilespmem:$0x1F380] =	vst v63  }
0x78: {  	_ =	swait.ge [sflag:s13], $0x2000  }
0x79: {  	s24 =	rddreg [dreg:$0x9]  }
0x7a: {  	[sflag:s13] =	ssyncset.done $0x0;
	s2 =	sadd.s32 s23, s24  }
0x7b: {  	[sflag:s13] =	ssyncadd.s32 $0xFFFFE000;
	s25 =	sadd.s32 $0x80, s2  }
0x7c: {  	[hbm4b:s25+s12] =	stream.strided.scatter [tilespmem:s21], [sflag:$0xF], $0x2000, s18, s12, $0x38;
	[tilespmem:$0x1F380] =	vst v63  }
0x7d: {  	_ =	swait.ge [sflag:s6], $0x2000  }
0x7e: {  	[sflag:s6] =	ssyncset.done $0x0  }
0x7f: {  	[sflag:s6] =	ssyncadd.s32 $0xFFFFE000  }
0x80: {  	[hbm4b:s2+s12] =	stream.strided.scatter [tilespmem:s26], [sflag:$0xF], $0x2000, s18, s12, $0x38;
	[tilespmem:$0x1F380] =	vst v63  }
0x81: {  	_ =	swait.ge [sflag:s8], $0x2000  }
0x82: {  	p1 =	por $0x0, $0x0;
	[sflag:s8] =	ssyncset.done $0x0  }
0x83: {  	s19 =	sadd.s32 $0x20000, s19;
	s28 =	sadd.s32 $0x20880, s20;
	[sflag:s8] =	ssyncadd.s32 $0xFFFFE000  }
0x84: {  	[hbm4b:s28+s12] =	stream.strided.scatter [tilespmem:s0], [sflag:$0x10], $0x2000, s18, s12, $0x38;
	[tilespmem:$0x1F380] =	vst v63  }
0x85: {  	s11 =	simm.s32 $0x800;
	s20 =	sadd.s32 $0x20800, s20;
	_ =	swait.ge [sflag:s17], $0x2000  }
0x86: {  	s15 =	simm.s32 $0x400;
	s2 =	sadd.s32 $0x40000, s23;
	[sflag:s17] =	ssyncset.done $0x0  }
.LBB2_2:
0x87: {  	s23 =	simm.s32 @!p1 $0xD;
	[sflag:s17] =	ssyncadd.s32 $0xFFFFE000  }
0x88: {  	[hbm4b:s20+s12] =	stream.strided.scatter [tilespmem:s31], [sflag:$0x10], $0x2000, s18, s12, $0x38;
	[tilespmem:$0x1F380] =	vst v63  }
0x89: {  	_ =	swait.ge @!p1 [sflag:s23], $0x2000  }
0x8a: {  	[sflag:s23] =	ssyncset.done @!p1 $0x0  }
0x8b: {  	[sflag:s23] =	ssyncadd.s32 @!p1 $0xFFFFE000  }
0x8c: {  	_ =	swait.ge @!p1 [sflag:s23], $0x2000  }
0x8d: {  	s25 =	smov.u32 s11;
	s24 =	simm.s32 $0x3800;
	[sflag:s23] =	ssyncset.done @!p1 $0x0  }
0x8e: {  	s28 =	simm.s32 $0xB800;
	s20 =	sshra.s32 s15, $0x2;
	[sflag:s23] =	ssyncadd.s32 @!p1 $0xFFFFE000  }
0x8f: {  	[tilespmem:s24], [sflag:$0x1] =	stream.linear.gather [hbm4b:s19+s5], $0x2000, $0x38;
	[tilespmem:$0x1F380] =	vst v63  }
0x90: {  	s15 =	smov.u32 s25;
	s25 =	simm.s32 @!p1 $0xE;
	s26 =	sadd.s32 $0x1C00, s20  }
0x91: {  	[tilespmem:s28], [sflag:$0x9] =	stream.indirect.gather [spmem:s3], $0x80, s26, s22, $0xb8;
	[tilespmem:$0x1F380] =	vst v63  }
0x92: {  	_ =	swait.ge @!p1 [sflag:s25], $0x2000  }
0x93: {  	[sflag:s25] =	ssyncset.done @!p1 $0x0  }
0x94: {  	[sflag:s25] =	ssyncadd.s32 @!p1 $0xFFFFE000  }
0x95: {  	_ =	swait.ge @!p1 [sflag:s25], $0x2000  }
0x96: {  	[sflag:s25] =	ssyncset.done @!p1 $0x0  }
0x97: {  	s0 =	sadd.s32 $0x400, s19;
	s26 =	simm.s32 $0x5800;
	[sflag:s25] =	ssyncadd.s32 @!p1 $0xFFFFE000  }
0x98: {  	[tilespmem:s26], [sflag:$0x2] =	stream.linear.gather [hbm4b:s0+s5], $0x2000, $0x38;
	[tilespmem:$0x1F380] =	vst v63  }
0x99: {  	s21 =	sadd.s32 $0x1C40, s20;
	s25 =	simm.s32 @!p1 $0xF  }
0x9a: {  	[tilespmem:s30], [sflag:$0xA] =	stream.indirect.gather [spmem:s3], $0x80, s21, s22, $0xb8;
	[tilespmem:$0x1F380] =	vst v63  }
0x9b: {  	_ =	swait.ge @!p1 [sflag:s25], $0x2000  }
0x9c: {  	[sflag:s25] =	ssyncset.done @!p1 $0x0  }
0x9d: {  	[sflag:s25] =	ssyncadd.s32 @!p1 $0xFFFFE000  }
0x9e: {  	_ =	swait.ge @!p1 [sflag:s25], $0x2000  }
0x9f: {  	[sflag:s25] =	ssyncset.done @!p1 $0x0  }
0xa0: {  	[sflag:s25] =	ssyncadd.s32 @!p1 $0xFFFFE000;
	s25 =	sadd.s32 $0x10000, s19  }
0xa1: {  	[tilespmem:s29], [sflag:$0x3] =	stream.linear.gather [hbm4b:s25+s5], $0x2000, $0x38;
	[tilespmem:$0x1F380] =	vst v63  }
0xa2: {  	s0 =	sadd.s32 $0x1C80, s20;
	s21 =	simm.s32 $0xF800;
	s25 =	simm.s32 @!p1 $0x10  }
0xa3: {  	[tilespmem:s21], [sflag:$0xB] =	stream.indirect.gather [spmem:s3], $0x80, s0, s22, $0xb8;
	[tilespmem:$0x1F380] =	vst v63  }
0xa4: {  	_ =	swait.ge @!p1 [sflag:s25], $0x2000  }
0xa5: {  	[sflag:s25] =	ssyncset.done @!p1 $0x0  }
0xa6: {  	[sflag:s25] =	ssyncadd.s32 @!p1 $0xFFFFE000  }
0xa7: {  	_ =	swait.ge @!p1 [sflag:s25], $0x2000  }
0xa8: {  	[sflag:s25] =	ssyncset.done @!p1 $0x0  }
0xa9: {  	s0 =	sadd.s32 $0x10400, s19;
	[sflag:s25] =	ssyncadd.s32 @!p1 $0xFFFFE000  }
0xaa: {  	[tilespmem:s31], [sflag:$0x4] =	stream.linear.gather [hbm4b:s0+s5], $0x2000, $0x38;
	[tilespmem:$0x1F380] =	vst v63  }
0xab: {  	s25 =	sadd.s32 $0x1CC0, s20;
	s0 =	simm.s32 $0x11800  }
0xac: {  	[tilespmem:s0], [sflag:$0xC] =	stream.indirect.gather [spmem:s3], $0x80, s25, s22, $0xb8;
	[tilespmem:$0x1F380] =	vst v63  }
0xad: {  	s25 =	simm.s32 $0x1  }
0xae: {  	_ =	swait.ge [sflag:s25], $0x2000  }
0xaf: {  	[sflag:s25] =	ssyncset.done $0x0  }
0xb0: {  	[sflag:s25] =	ssyncadd.s32 $0xFFFFE000;
	s25 =	simm.s32 $0x2  }
0xb1: {  	[tilespmem:s24], [sflag:$0x5] =	stream.indirect.gather.add.f32 [hbm:s1], $0x80, s20, s22, $0xb8;
	[tilespmem:$0x1F380] =	vst v63  }
0xb2: {  	_ =	swait.ge [sflag:s25], $0x2000  }
0xb3: {  	[sflag:s25] =	ssyncset.done $0x0  }
0xb4: {  	[sflag:s25] =	ssyncadd.s32 $0xFFFFE000;
	s25 =	sadd.s32 $0x40, s20  }
0xb5: {  	[tilespmem:s26], [sflag:$0x6] =	stream.indirect.gather.add.f32 [hbm:s1], $0x80, s25, s22, $0xb8;
	[tilespmem:$0x1F380] =	vst v63  }
0xb6: {  	_ =	swait.ge [sflag:s4], $0x2000  }
0xb7: {  	[sflag:s4] =	ssyncset.done $0x0  }
0xb8: {  	s25 =	sadd.s32 $0x80, s20;
	[sflag:s4] =	ssyncadd.s32 $0xFFFFE000  }
0xb9: {  	[tilespmem:s29], [sflag:$0x7] =	stream.indirect.gather.add.f32 [hbm:s1], $0x80, s25, s22, $0xb8;
	[tilespmem:$0x1F380] =	vst v63  }
0xba: {  	_ =	swait.ge [sflag:s14], $0x2000  }
0xbb: {  	[sflag:s14] =	ssyncset.done $0x0  }
0xbc: {  	s20 =	sadd.s32 $0xC0, s20;
	[sflag:s14] =	ssyncadd.s32 $0xFFFFE000  }
0xbd: {  	[tilespmem:s31], [sflag:$0x8] =	stream.indirect.gather.add.f32 [hbm:s1], $0x80, s20, s22, $0xb8;
	[tilespmem:$0x1F380] =	vst v63  }
0xbe: {  	_ =	swait.ge [sflag:s16], $0x2000  }
0xbf: {  	s23 =	rddreg [dreg:$0x7]  }
0xc0: {  	[sflag:s16] =	ssyncset.done $0x0;
	s20 =	sadd.s32 s2, s23  }
0xc1: {  	[sflag:s16] =	ssyncadd.s32 $0xFFFFE000;
	s25 =	sadd.s32 $0x80, s20  }
0xc2: {  	[hbm4b:s25+s12] =	stream.strided.scatter [tilespmem:s28], [sflag:$0xD], $0x2000, s18, s12, $0x38;
	[tilespmem:$0x1F380] =	vst v63  }
0xc3: {  	_ =	swait.ge [sflag:s7], $0x2000  }
0xc4: {  	[sflag:s7] =	ssyncset.done $0x0  }
0xc5: {  	[sflag:s7] =	ssyncadd.s32 $0xFFFFE000  }
0xc6: {  	[hbm4b:s20+s12] =	stream.strided.scatter [tilespmem:s24], [sflag:$0xD], $0x2000, s18, s12, $0x38;
	[tilespmem:$0x1F380] =	vst v63  }
0xc7: {  	_ =	swait.ge [sflag:s9], $0x2000  }
0xc8: {  	s25 =	rddreg [dreg:$0x8]  }
0xc9: {  	[sflag:s9] =	ssyncset.done $0x0;
	s20 =	sadd.s32 s2, s25  }
0xca: {  	[sflag:s9] =	ssyncadd.s32 $0xFFFFE000;
	s28 =	sadd.s32 $0x880, s20  }
0xcb: {  	[hbm4b:s28+s12] =	stream.strided.scatter [tilespmem:s30], [sflag:$0xE], $0x2000, s18, s12, $0x38;
	[tilespmem:$0x1F380] =	vst v63  }
0xcc: {  	_ =	swait.ge [sflag:s10], $0x2000  }
0xcd: {  	[sflag:s10] =	ssyncset.done $0x0  }
0xce: {  	s24 =	sadd.s32 $0x800, s20;
	[sflag:s10] =	ssyncadd.s32 $0xFFFFE000  }
0xcf: {  	[hbm4b:s24+s12] =	stream.strided.scatter [tilespmem:s26], [sflag:$0xE], $0x2000, s18, s12, $0x38;
	[tilespmem:$0x1F380] =	vst v63  }
0xd0: {  	_ =	swait.ge [sflag:s13], $0x2000  }
0xd1: {  	s25 =	rddreg [dreg:$0x9]  }
0xd2: {  	[sflag:s13] =	ssyncset.done $0x0;
	s23 =	sadd.s32 s2, s25  }
0xd3: {  	[sflag:s13] =	ssyncadd.s32 $0xFFFFE000;
	s26 =	sadd.s32 $0x80, s23  }
0xd4: {  	[hbm4b:s26+s12] =	stream.strided.scatter [tilespmem:s21], [sflag:$0xF], $0x2000, s18, s12, $0x38;
	[tilespmem:$0x1F380] =	vst v63  }
0xd5: {  	_ =	swait.ge [sflag:s6], $0x2000  }
0xd6: {  	[sflag:s6] =	ssyncset.done $0x0  }
0xd7: {  	s11 =	sadd.s32 $0x400, s11;
	[sflag:s6] =	ssyncadd.s32 $0xFFFFE000  }
0xd8: {  	[hbm4b:s23+s12] =	stream.strided.scatter [tilespmem:s29], [sflag:$0xF], $0x2000, s18, s12, $0x38;
	[tilespmem:$0x1F380] =	vst v63  }
0xd9: {  	p0 =	sne.s32 s11, $0x6400;
	_ =	swait.ge [sflag:s8], $0x2000  }
.Ltmp0:
0xda: {  	[sflag:s8] =	ssyncset.done $0x0;
	(pc) =	sbr.rel @p0 .LBB2_2-.Ltmp0, $4  }
0xdb: {  	s28 =	sadd.s32 $0x20880, s20;
	[sflag:s8] =	ssyncadd.s32 $0xFFFFE000  }
0xdc: {  	[hbm4b:s28+s12] =	stream.strided.scatter [tilespmem:s0], [sflag:$0x10], $0x2000, s18, s12, $0x38;
	[tilespmem:$0x1F380] =	vst v63  }
0xdd: {  	s19 =	sadd.s32 $0x20000, s19;
	p1 =	seq.s32 s15, $0x0;
	_ =	swait.ge [sflag:s17], $0x2000  }
0xde: {  	s20 =	sadd.s32 $0x20800, s20;
	s2 =	sadd.s32 $0x40000, s2;
	[sflag:s17] =	ssyncset.done $0x0  }
0xdf: {  	[sflag:s17] =	ssyncadd.s32 $0xFFFFE000;
	s28 =	simm.s32 $0x9800;
	s11 =	simm.s32 @!p1 $0xD  }
0xe0: {  	[hbm4b:s20+s12] =	stream.strided.scatter [tilespmem:s28], [sflag:$0x10], $0x2000, s18, s12, $0x38;
	[tilespmem:$0x1F380] =	vst v63  }
0xe1: {  	_ =	swait.ge @!p1 [sflag:s11], $0x2000  }
0xe2: {  	[sflag:s11] =	ssyncset.done @!p1 $0x0  }
0xe3: {  	[sflag:s11] =	ssyncadd.s32 @!p1 $0xFFFFE000  }
0xe4: {  	_ =	swait.ge @!p1 [sflag:s11], $0x2000  }
0xe5: {  	[sflag:s11] =	ssyncset.done @!p1 $0x0  }
0xe6: {  	s24 =	simm.s32 $0x3800;
	[sflag:s11] =	ssyncadd.s32 @!p1 $0xFFFFE000;
	s11 =	sshra.s32 s15, $0x2  }
0xe7: {  	[tilespmem:s24], [sflag:$0x1] =	stream.linear.gather [hbm4b:s19+s5], $0x2000, $0x38;
	[tilespmem:$0x1F380] =	vst v63  }
0xe8: {  	s20 =	simm.s32 $0xB800;
	s15 =	sadd.s32 $0x1C00, s11  }
0xe9: {  	[tilespmem:s20], [sflag:$0x9] =	stream.indirect.gather [spmem:s3], $0x80, s15, s22, $0xb8;
	[tilespmem:$0x1F380] =	vst v63  }
0xea: {  	s15 =	simm.s32 @!p1 $0xE  }
0xeb: {  	_ =	swait.ge @!p1 [sflag:s15], $0x2000  }
0xec: {  	[sflag:s15] =	ssyncset.done @!p1 $0x0  }
0xed: {  	[sflag:s15] =	ssyncadd.s32 @!p1 $0xFFFFE000  }
0xee: {  	_ =	swait.ge @!p1 [sflag:s15], $0x2000  }
0xef: {  	[sflag:s15] =	ssyncset.done @!p1 $0x0  }
0xf0: {  	s26 =	sadd.s32 $0x400, s19;
	s25 =	simm.s32 $0x5800;
	[sflag:s15] =	ssyncadd.s32 @!p1 $0xFFFFE000  }
0xf1: {  	[tilespmem:s25], [sflag:$0x2] =	stream.linear.gather [hbm4b:s26+s5], $0x2000, $0x38;
	[tilespmem:$0x1F380] =	vst v63  }
0xf2: {  	s23 =	simm.s32 $0xD800;
	s0 =	sadd.s32 $0x1C40, s11;
	s15 =	simm.s32 @!p1 $0xF  }
0xf3: {  	[tilespmem:s23], [sflag:$0xA] =	stream.indirect.gather [spmem:s3], $0x80, s0, s22, $0xb8;
	[tilespmem:$0x1F380] =	vst v63  }
0xf4: {  	_ =	swait.ge @!p1 [sflag:s15], $0x2000  }
0xf5: {  	[sflag:s15] =	ssyncset.done @!p1 $0x0  }
0xf6: {  	[sflag:s15] =	ssyncadd.s32 @!p1 $0xFFFFE000  }
0xf7: {  	_ =	swait.ge @!p1 [sflag:s15], $0x2000  }
0xf8: {  	[sflag:s15] =	ssyncset.done @!p1 $0x0  }
0xf9: {  	s21 =	sadd.s32 $0x10000, s19;
	s26 =	simm.s32 $0x7800;
	[sflag:s15] =	ssyncadd.s32 @!p1 $0xFFFFE000  }
0xfa: {  	[tilespmem:s26], [sflag:$0x3] =	stream.linear.gather [hbm4b:s21+s5], $0x2000, $0x38;
	[tilespmem:$0x1F380] =	vst v63  }
0xfb: {  	s0 =	sadd.s32 $0x1C80, s11;
	s15 =	simm.s32 @!p1 $0x10;
	s21 =	simm.s32 $0xF800  }
0xfc: {  	[tilespmem:s21], [sflag:$0xB] =	stream.indirect.gather [spmem:s3], $0x80, s0, s22, $0xb8;
	[tilespmem:$0x1F380] =	vst v63  }
0xfd: {  	_ =	swait.ge @!p1 [sflag:s15], $0x2000  }
0xfe: {  	[sflag:s15] =	ssyncset.done @!p1 $0x0  }
0xff: {  	[sflag:s15] =	ssyncadd.s32 @!p1 $0xFFFFE000  }
0x100: {  	_ =	swait.ge @!p1 [sflag:s15], $0x2000  }
0x101: {  	[sflag:s15] =	ssyncset.done @!p1 $0x0  }
0x102: {  	s0 =	sadd.s32 $0x10400, s19;
	[sflag:s15] =	ssyncadd.s32 @!p1 $0xFFFFE000  }
0x103: {  	[tilespmem:s28], [sflag:$0x4] =	stream.linear.gather [hbm4b:s0+s5], $0x2000, $0x38;
	[tilespmem:$0x1F380] =	vst v63  }
0x104: {  	s19 =	sadd.s32 $0x1CC0, s11;
	s0 =	simm.s32 $0x11800  }
0x105: {  	[tilespmem:s0], [sflag:$0xC] =	stream.indirect.gather [spmem:s3], $0x80, s19, s22, $0xb8;
	[tilespmem:$0x1F380] =	vst v63  }
0x106: {  	s19 =	simm.s32 $0x1  }
0x107: {  	_ =	swait.ge [sflag:s19], $0x2000  }
0x108: {  	[sflag:s19] =	ssyncset.done $0x0  }
0x109: {  	[sflag:s19] =	ssyncadd.s32 $0xFFFFE000;
	s19 =	simm.s32 $0x2  }
0x10a: {  	[tilespmem:s24], [sflag:$0x5] =	stream.indirect.gather.add.f32 [hbm:s1], $0x80, s11, s22, $0xb8;
	[tilespmem:$0x1F380] =	vst v63  }
0x10b: {  	_ =	swait.ge [sflag:s19], $0x2000  }
0x10c: {  	[sflag:s19] =	ssyncset.done $0x0  }
0x10d: {  	[sflag:s19] =	ssyncadd.s32 $0xFFFFE000;
	s19 =	sadd.s32 $0x40, s11  }
0x10e: {  	[tilespmem:s25], [sflag:$0x6] =	stream.indirect.gather.add.f32 [hbm:s1], $0x80, s19, s22, $0xb8;
	[tilespmem:$0x1F380] =	vst v63  }
0x10f: {  	_ =	swait.ge [sflag:s4], $0x2000  }
0x110: {  	[sflag:s4] =	ssyncset.done $0x0  }
0x111: {  	s19 =	sadd.s32 $0x80, s11;
	[sflag:s4] =	ssyncadd.s32 $0xFFFFE000  }
0x112: {  	[tilespmem:s26], [sflag:$0x7] =	stream.indirect.gather.add.f32 [hbm:s1], $0x80, s19, s22, $0xb8;
	[tilespmem:$0x1F380] =	vst v63  }
0x113: {  	_ =	swait.ge [sflag:s14], $0x2000  }
0x114: {  	[sflag:s14] =	ssyncset.done $0x0  }
0x115: {  	s11 =	sadd.s32 $0xC0, s11;
	[sflag:s14] =	ssyncadd.s32 $0xFFFFE000  }
0x116: {  	[tilespmem:s28], [sflag:$0x8] =	stream.indirect.gather.add.f32 [hbm:s1], $0x80, s11, s22, $0xb8;
	[tilespmem:$0x1F380] =	vst v63  }
0x117: {  	_ =	swait.ge [sflag:s16], $0x2000  }
0x118: {  	s15 =	rddreg [dreg:$0x7]  }
0x119: {  	[sflag:s16] =	ssyncset.done $0x0;
	s11 =	sadd.s32 s2, s15  }
0x11a: {  	[sflag:s16] =	ssyncadd.s32 $0xFFFFE000;
	s19 =	sadd.s32 $0x80, s11  }
0x11b: {  	[hbm4b:s19+s12] =	stream.strided.scatter [tilespmem:s20], [sflag:$0xD], $0x2000, s18, s12, $0x38;
	[tilespmem:$0x1F380] =	vst v63  }
0x11c: {  	_ =	swait.ge [sflag:s7], $0x2000  }
0x11d: {  	[sflag:s7] =	ssyncset.done $0x0  }
0x11e: {  	[sflag:s7] =	ssyncadd.s32 $0xFFFFE000  }
0x11f: {  	[hbm4b:s11+s12] =	stream.strided.scatter [tilespmem:s24], [sflag:$0xD], $0x2000, s18, s12, $0x38;
	[tilespmem:$0x1F380] =	vst v63  }
0x120: {  	_ =	swait.ge [sflag:s9], $0x2000  }
0x121: {  	s19 =	rddreg [dreg:$0x8]  }
0x122: {  	[sflag:s9] =	ssyncset.done $0x0;
	s11 =	sadd.s32 s2, s19  }
0x123: {  	[sflag:s9] =	ssyncadd.s32 $0xFFFFE000;
	s20 =	sadd.s32 $0x880, s11  }
0x124: {  	[hbm4b:s20+s12] =	stream.strided.scatter [tilespmem:s23], [sflag:$0xE], $0x2000, s18, s12, $0x38;
	[tilespmem:$0x1F380] =	vst v63  }
0x125: {  	_ =	swait.ge [sflag:s10], $0x2000  }
0x126: {  	[sflag:s10] =	ssyncset.done $0x0  }
0x127: {  	s23 =	sadd.s32 $0x800, s11;
	[sflag:s10] =	ssyncadd.s32 $0xFFFFE000  }
0x128: {  	[hbm4b:s23+s12] =	stream.strided.scatter [tilespmem:s25], [sflag:$0xE], $0x2000, s18, s12, $0x38;
	[tilespmem:$0x1F380] =	vst v63  }
0x129: {  	_ =	swait.ge [sflag:s13], $0x2000  }
0x12a: {  	s24 =	rddreg [dreg:$0x9]  }
0x12b: {  	[sflag:s13] =	ssyncset.done $0x0;
	s25 =	sadd.s32 s2, s24  }
0x12c: {  	[sflag:s13] =	ssyncadd.s32 $0xFFFFE000;
	s15 =	sadd.s32 $0x80, s25  }
0x12d: {  	[hbm4b:s15+s12] =	stream.strided.scatter [tilespmem:s21], [sflag:$0xF], $0x2000, s18, s12, $0x38;
	[tilespmem:$0x1F380] =	vst v63  }
0x12e: {  	_ =	swait.ge [sflag:s6], $0x2000  }
0x12f: {  	[sflag:s6] =	ssyncset.done $0x0  }
0x130: {  	[sflag:s6] =	ssyncadd.s32 $0xFFFFE000  }
0x131: {  	[hbm4b:s25+s12] =	stream.strided.scatter [tilespmem:s26], [sflag:$0xF], $0x2000, s18, s12, $0x38;
	[tilespmem:$0x1F380] =	vst v63  }
0x132: {  	_ =	swait.ge [sflag:s8], $0x2000  }
0x133: {  	[sflag:s8] =	ssyncset.done $0x0  }
0x134: {  	s19 =	sadd.s32 $0x20880, s11;
	[sflag:s8] =	ssyncadd.s32 $0xFFFFE000  }
0x135: {  	[hbm4b:s19+s12] =	stream.strided.scatter [tilespmem:s0], [sflag:$0x10], $0x2000, s18, s12, $0x38;
	[tilespmem:$0x1F380] =	vst v63  }
0x136: {  	_ =	swait.ge [sflag:s17], $0x2000  }
0x137: {  	[sflag:s17] =	ssyncset.done $0x0  }
0x138: {  	s20 =	sadd.s32 $0x20800, s11;
	s21 =	simm.s32 $0xD;
	[sflag:s17] =	ssyncadd.s32 $0xFFFFE000  }
0x139: {  	[hbm4b:s20+s12] =	stream.strided.scatter [tilespmem:s28], [sflag:$0x10], $0x2000, s18, s12, $0x38;
	[tilespmem:$0x1F380] =	vst v63  }
0x13a: {  	_ =	swait.ge [sflag:s21], $0x2000  }
0x13b: {  	[sflag:s21] =	ssyncset.done $0x0  }
0x13c: {  	[sflag:s21] =	ssyncadd.s32 $0xFFFFE000  }
0x13d: {  	_ =	swait.ge [sflag:s21], $0x2000  }
0x13e: {  	[sflag:s21] =	ssyncset.done $0x0  }
0x13f: {  	s23 =	simm.s32 $0xE;
	[sflag:s21] =	ssyncadd.s32 $0xFFFFE000  }
0x140: {  	_ =	swait.ge [sflag:s23], $0x2000  }
0x141: {  	[sflag:s23] =	ssyncset.done $0x0  }
0x142: {  	[sflag:s23] =	ssyncadd.s32 $0xFFFFE000  }
0x143: {  	_ =	swait.ge [sflag:s23], $0x2000  }
0x144: {  	[sflag:s23] =	ssyncset.done $0x0  }
0x145: {  	s24 =	simm.s32 $0xF;
	[sflag:s23] =	ssyncadd.s32 $0xFFFFE000  }
0x146: {  	_ =	swait.ge [sflag:s24], $0x2000  }
0x147: {  	[sflag:s24] =	ssyncset.done $0x0  }
0x148: {  	[sflag:s24] =	ssyncadd.s32 $0xFFFFE000  }
0x149: {  	_ =	swait.ge [sflag:s24], $0x2000  }
0x14a: {  	[sflag:s24] =	ssyncset.done $0x0  }
0x14b: {  	s25 =	simm.s32 $0x10;
	[sflag:s24] =	ssyncadd.s32 $0xFFFFE000  }
0x14c: {  	_ =	swait.ge [sflag:s25], $0x2000  }
0x14d: {  	[sflag:s25] =	ssyncset.done $0x0  }
0x14e: {  	[sflag:s25] =	ssyncadd.s32 $0xFFFFE000  }
0x14f: {  	_ =	swait.ge [sflag:s25], $0x2000  }
0x150: {  	s26 =	rddreg [dreg:$0x13]  }
0x151: {  	s28 =	rddreg [dreg:$0xe];
	s11 =	sadd.s32 $0x1, s26  }
0x152: {  	p0 =	sne.s32 s11, s28  }
.Ltmp1:
0x153: {  	_ = 	snop;
	(pc) =	sbr.rel @p0 .LBB2_1-.Ltmp1, $3  }
0x154: {  	_ =	sdelay $0x1  }
0x155: {  	[sflag:s25] =	ssyncset.done $0x0  }
0x156: {  	[sflag:s25] =	ssyncadd.s32 $0xFFFFE000  }
0x157: {  	_ =	sfence.sel $0x180000  }
0x158: {  	[bflag:$0x0] =	sbarrier.arrive $0xFFFF  }
0x159: {  	_ =	strace $0x90000047  }
0x15a: {  	s0 =	stileid.u32;
	[bflag:$0x2] =	sbarrier.arrive $0xFFFF  }
0x15b: {  	p0 =	sne.s32 s0, $0x0;
	s0 =	rddreg [dreg:$0x6]  }
0x15c: {  	s0 =	sadd.s32 @!p0 $0x100000, s0  }
0x15d: {  	[sflag:s0] =	ssyncadd.tile.s32 @!p0 $0x1;
	_ =	shalt  }
.Lfunc_end2:
_tile_overlayer_lowered:
.L_overlay_start_2:
0x15e: {  	(tag) =	ssettag $0x2  }
0x15f: {  	s0 =	rddreg [dreg:$0x0];
	s2 =	stileid.u32  }
0x160: {  	s1 =	rddreg [dreg:$0x1];
	p0 =	sne.s32 s2, $0x0  }
0x161: {  	s3 =	rddreg [dreg:$0x2];
	[bflag:$0x3] =	sbarrier.arrive $0xFFFF;
	s2 =	simm.s32 @!p0 $0x1C11  }
0x162: {  	[timem:s3], [sflag:s2] =	dma.local @!p0 [hbm:s0], s1  }
0x163: {  	s0 =	simm.s32 @!p0 $0x11  }
0x164: {  	_ =	swait.ge @!p0 [sflag:s0], s1  }
0x165: {  	s1 =	ssub.s32 @!p0 $0x0, s1;
	[sflag:s0] =	ssyncset.done @!p0 $0x0  }
0x166: {  	[sflag:s0] =	ssyncadd.s32 @!p0 s1  }
0x167: {  	[bflag:$0x3] =	sbarrier.arrive $0xFFFF  }
0x168: {  	_ =	shalt  }

</sc_bundles>
